<compile_context>
chip_gen: v7x
topology: tpu7x:2x2x1
jax: 0.10.2.dev20260603
libtpu: 0.0.44.dev20260713+nightly
codegen_flags: <defaults>
</compile_context>

<pallas_src>
import functools

import jax
import jax.numpy as jnp
from jax import lax
from jax.experimental import pallas as pl
from jax.experimental.pallas import tpu as pltpu
from jax.experimental.pallas import tpu_sc as plsc

N = 10000
NP = 10240
E = 160000
D = 300

NC = 2
NS = 16
NW = NC * NS
K = 125
NA = (E // NS) // K
NB = (E // NW) // K
SEG = 40
SH = NP // NS
G = 128
EPD = NP * NS
DS = EPD // NW // 16

_mesh = plsc.VectorSubcoreMesh(core_axis_name="c", subcore_axis_name="s")


def _deg_body(cols16_hbm, zeros_np_hbm, deg_hbm, colsv, hist):
    c = lax.axis_index("c")
    s = lax.axis_index("s")
    w = c * NS + s
    pltpu.sync_copy(zeros_np_hbm, hist)
    pltpu.sync_copy(cols16_hbm.at[pl.ds(w * DS, DS)], colsv)
    ones16 = jnp.ones((16,), jnp.float32)

    def step(j, carry):
        plsc.addupdate_scatter(hist, [colsv[j]], ones16)
        return carry

    lax.fori_loop(0, DS, step, 0)
    pltpu.sync_copy(hist, deg_hbm.at[pl.ds(w * NP, NP)])


_deg_call = functools.partial(
    pl.kernel,
    mesh=_mesh,
    compiler_params=pltpu.CompilerParams(needs_layout_passes=False),
    out_type=jax.ShapeDtypeStruct((NW * NP,), jnp.float32),
    scratch_types=[
        pltpu.VMEM((DS, 16), jnp.int32),
        pltpu.VMEM((NP,), jnp.float32),
    ],
)(_deg_body)


def _mm_body(x_ref, w_ref, degp_ref, z_ref, dis_ref):
    ones_w = jnp.ones((NW, 1), jnp.float32)
    deg = lax.dot_general(
        degp_ref[...], ones_w, (((0,), (0,)), ((), ())),
        preferred_element_type=jnp.float32,
    ) + 1.0
    dis = lax.rsqrt(deg)
    y = lax.dot_general(
        x_ref[...], w_ref[...], (((1,), (1,)), ((), ())),
        preferred_element_type=jnp.float32,
    )
    z = y * dis
    bm = z.shape[0]
    z_ref[0] = z[:, :G]
    z_ref[1] = z[:, G:2 * G]
    z_ref[2] = jnp.concatenate(
        [z[:, 2 * G:], jnp.zeros((bm, 3 * G - D), jnp.float32)], axis=1)
    dis_ref[...] = jnp.broadcast_to(dis, (bm, 16))


def _mm_call(x, W, degp, bm=2048):
    return pl.pallas_call(
        _mm_body,
        grid=(NP // bm,),
        in_specs=[
            pl.BlockSpec((bm, D), lambda i: (i, 0)),
            pl.BlockSpec((D, D), lambda i: (0, 0)),
            pl.BlockSpec((NW, bm), lambda i: (0, i)),
        ],
        out_specs=[
            pl.BlockSpec((3, bm, G), lambda i: (0, i, 0)),
            pl.BlockSpec((bm, 16), lambda i: (i, 0)),
        ],
        out_shape=[
            jax.ShapeDtypeStruct((3, NP, G), jnp.float32),
            jax.ShapeDtypeStruct((NP, 16), jnp.float32),
        ],
    )(x, W, degp)


def _agg_body(rows_hbm, cols_hbm, z_hbm, zeros_hbm, s_hbm,
              idxr, idxc, buf0, buf1, sem0, sem1, acc):
    c = lax.axis_index("c")
    s = lax.axis_index("s")
    w = c * NS + s
    pltpu.sync_copy(zeros_hbm, acc.at[pl.ds(s * SH, SH)])

    def run_seg(g):
        zt = z_hbm.at[g]
        pltpu.async_copy(zt.at[idxr.at[0]], buf0, sem0)

        def pair(j0):
            pltpu.async_copy(zt.at[idxr.at[j0 + 1]], buf1, sem1)
            pltpu.make_async_copy(zt.at[idxr.at[j0]], buf0, sem0).wait()
            pltpu.sync_copy(buf0, acc.at[idxc.at[j0]], add=True)

            @pl.when(j0 + 2 < SEG)
            def _():
                pltpu.async_copy(zt.at[idxr.at[j0 + 2]], buf0, sem0)

            pltpu.make_async_copy(zt.at[idxr.at[j0 + 1]], buf1, sem1).wait()
            pltpu.sync_copy(buf1, acc.at[idxc.at[j0 + 1]], add=True)

        pl.loop(0, SEG, step=2)(pair)

    for t in range(NA // SEG):
        pltpu.sync_copy(
            rows_hbm.at[pl.ds(s * NA + t * SEG, SEG)], idxr)
        pltpu.sync_copy(cols_hbm.at[pl.ds(s * NA + t * SEG, SEG)], idxc)
        if t == 0:
            plsc.subcore_barrier()
        run_seg(c)
    plsc.subcore_barrier()
    pltpu.sync_copy(acc.at[pl.ds(s * SH, SH)],
                    s_hbm.at[pl.ds(c * NP + s * SH, SH)])
    pltpu.sync_copy(zeros_hbm, acc.at[pl.ds(s * SH, SH)])
    pltpu.sync_copy(rows_hbm.at[pl.ds(w * NB, NB)], idxr)
    pltpu.sync_copy(cols_hbm.at[pl.ds(w * NB, NB)], idxc)
    plsc.subcore_barrier()
    run_seg(2)
    plsc.subcore_barrier()
    pltpu.sync_copy(acc.at[pl.ds(s * SH, SH)],
                    s_hbm.at[pl.ds((2 + c) * NP + s * SH, SH)])


_agg_call = functools.partial(
    pl.kernel,
    mesh=_mesh,
    compiler_params=pltpu.CompilerParams(needs_layout_passes=False),
    out_type=jax.ShapeDtypeStruct((4 * NP, G), jnp.float32),
    scratch_types=[
        pltpu.VMEM((SEG, K), jnp.int32),
        pltpu.VMEM((SEG, K), jnp.int32),
        pltpu.VMEM((K, G), jnp.float32),
        pltpu.VMEM((K, G), jnp.float32),
        pltpu.SemaphoreType.DMA,
        pltpu.SemaphoreType.DMA,
        pltpu.VMEM_SHARED((NP, G), jnp.float32),
    ],
)(_agg_body)


def _epi_body(s_ref, z_ref, dis_ref, b_ref, out_ref):
    g0 = s_ref[0] + z_ref[0]
    g1 = s_ref[1] + z_ref[1]
    g2 = s_ref[2] + s_ref[3] + z_ref[2]
    h = jnp.concatenate([g0, g1, g2[:, :D - 2 * G]], axis=1)
    h = h * dis_ref[:, :1] + b_ref[...]
    h = jnp.maximum(h, 0.0)
    nrm = jnp.sqrt(jnp.sum(h * h, axis=1, keepdims=True))
    out_ref[...] = h / jnp.maximum(nrm, 1e-12)


def _epi_call(s4, z3, dis, b2, bm=2000):
    return pl.pallas_call(
        _epi_body,
        grid=(N // bm,),
        in_specs=[
            pl.BlockSpec((4, bm, G), lambda i: (0, i, 0)),
            pl.BlockSpec((3, bm, G), lambda i: (0, i, 0)),
            pl.BlockSpec((bm, 16), lambda i: (i, 0)),
            pl.BlockSpec((1, D), lambda i: (0, 0)),
        ],
        out_specs=pl.BlockSpec((bm, D), lambda i: (i, 0)),
        out_shape=jax.ShapeDtypeStruct((N, D), jnp.float32),
    )(s4, z3, dis, b2)


def kernel(x, adj, W, b):
    rows = adj[0].reshape(NS * NA, K)
    cols = adj[1].reshape(NS * NA, K)
    cols16 = jnp.concatenate(
        [adj[1], jnp.full((EPD - E,), N, jnp.int32)]).reshape(NP * NS // 16, 16)
    zeros_np = jnp.zeros((NP,), jnp.float32)
    zeros_sh = jnp.zeros((SH, G), jnp.float32)

    deg1d = _deg_call(cols16, zeros_np)
    z3, dis = _mm_call(x, W, deg1d.reshape(NW, NP))
    s4 = _agg_call(rows, cols, z3, zeros_sh)
    out = _epi_call(s4.reshape(4, NP, G), z3, dis, b.reshape(1, D))
    return out

# --- scband reference (transcript-rebuilt; emitter-appended) ---
"""Pipeline reference for scband-sgcnet-10651518894449 (READ-ONLY COPY).

The authoritative reference and input builder live on the scoring server;
editing this copy changes nothing except your own understanding.
"""

import jax, jax.numpy as jnp
import numpy as np

N = 10000
E = 160000
D = 300


def setup_inputs(seed: int = 0) -> dict:
    key = jax.random.key(seed)
    k1, k2, k3, k4 = jax.random.split(key, 4)
    x = jax.random.normal(k1, (N, D), dtype=jnp.float32)
    adj = jax.random.randint(k2, (2, E), 0, N, dtype=jnp.int32)
    # SGConv linear layer params (in=300, out=300), torch Linear-style init
    bound = 1.0 / np.sqrt(D)
    W = jax.random.uniform(k3, (D, D), dtype=jnp.float32, minval=-bound, maxval=bound)
    b = jax.random.uniform(k4, (D,), dtype=jnp.float32, minval=-bound, maxval=bound)
    return {"x": x, "adj": adj, "W": W, "b": b}


def reference(x, adj, W, b):
    # SGConv K=1 with gcn_norm (add self-loops, symmetric normalization)
    row = adj[0]
    col = adj[1]
    loop = jnp.arange(N, dtype=row.dtype)
    row = jnp.concatenate([row, loop])
    col = jnp.concatenate([col, loop])
    ew = jnp.ones(row.shape[0], dtype=x.dtype)
    deg = jnp.zeros((N,), dtype=x.dtype).at[col].add(ew)
    deg_inv_sqrt = jnp.where(deg > 0, 1.0 / jnp.sqrt(deg), 0.0)
    norm = deg_inv_sqrt[row] * deg_inv_sqrt[col] * ew
    # propagate: aggregate normalized source features at destination
    msg = x[row] * norm[:, None]
    h = jnp.zeros_like(x).at[col].add(msg)
    # linear transform
    h = h @ W.T + b
    # relu + dropout(p=0.0) + F.normalize (L2 over dim=1)
    h = jax.nn.relu(h)
    nrm = jnp.sqrt(jnp.sum(h * h, axis=1, keepdims=True))
    out = h / jnp.maximum(nrm, 1e-12)
    return out

if __name__ == "__main__":
    import jax
    _d = setup_inputs()
    print(jax.jit(kernel)(*tuple(_d.values())))

</pallas_src>

<mosaic_0001>
#map = affine_map<(d0, d1) -> (0, 0)>
#map1 = affine_map<(d0, d1) -> (0, 0, 0)>
module attributes {stable_mosaic.version = 14 : i64} {
  func.func @_agg_body(%arg0: i32, %arg1: i32, %arg2: memref<1280x125xi32, #tpu.memory_space<hbm>>, %arg3: memref<1280x125xi32, #tpu.memory_space<hbm>>, %arg4: memref<3x10240x128xf32, #tpu.memory_space<hbm>>, %arg5: memref<640x128xf32, #tpu.memory_space<hbm>>, %arg6: memref<40960x128xf32, #tpu.memory_space<hbm>>, %arg7: memref<40x125xi32, #tpu.memory_space<vmem>>, %arg8: memref<40x125xi32, #tpu.memory_space<vmem>>, %arg9: memref<125x128xf32, #tpu.memory_space<vmem>>, %arg10: memref<125x128xf32, #tpu.memory_space<vmem>>, %arg11: memref<!tpu.dma_semaphore, #tpu.memory_space<semaphore_mem>>, %arg12: memref<!tpu.dma_semaphore, #tpu.memory_space<semaphore_mem>>, %arg13: memref<10240x128xf32, #tpu.memory_space<vmem_shared>>) attributes {dimension_semantics = [#tpu.dimension_semantics<core_parallel>, #tpu.dimension_semantics<subcore_parallel>], iteration_bounds = array<i64: 2, 16>, scalar_prefetch = 0 : i64, scratch_operands = 7 : i64, tpu.core_type = #tpu.core_type<sc_vector_subcore>, window_params = [{transform_indices = #map}, {transform_indices = #map}, {transform_indices = #map1}, {transform_indices = #map}, {transform_indices = #map}]} {
    %mul3A = arith.constant 16 : i32
    %mul3A_0 = arith.muli %arg0, %mul3A : i32
    %add3A = arith.addi %mul3A_0, %arg1 : i32
    %mul3A_1 = arith.constant 640 : i32
    %mul3A_2 = arith.muli %arg1, %mul3A_1 : i32
    "tpu.region"() ({
      %run_scoped3A = tpu.sem_alloc : memref<!tpu.dma_semaphore, #tpu.memory_space<semaphore_mem>>
      %dma_start3A_92 = arith.constant 0 : i32
      %dma_start3A_93 = tpu.memref_slice %arg13[%mul3A_2, %dma_start3A_92] : memref<10240x128xf32, #tpu.memory_space<vmem_shared>> -> memref<640x128xf32, #tpu.memory_space<vmem_shared>>
      tpu.enqueue_dma source(%arg5 : memref<640x128xf32, #tpu.memory_space<hbm>>) target(%dma_start3A_93 : memref<640x128xf32, #tpu.memory_space<vmem_shared>>) target_semaphore(%run_scoped3A : memref<!tpu.dma_semaphore, #tpu.memory_space<semaphore_mem>>)
      %dma_wait3A = arith.constant 0 : i32
      %dma_wait3A_94 = tpu.memref_slice %arg13[%mul3A_2, %dma_wait3A] : memref<10240x128xf32, #tpu.memory_space<vmem_shared>> -> memref<640x128xf32, #tpu.memory_space<vmem_shared>>
      tpu.wait_dma2 semaphore(%run_scoped3A : memref<!tpu.dma_semaphore, #tpu.memory_space<semaphore_mem>>) src(%arg5 : memref<640x128xf32, #tpu.memory_space<hbm>>) dst(%dma_wait3A_94 : memref<640x128xf32, #tpu.memory_space<vmem_shared>>)
      tpu.yield
    }) : () -> ()
    %mul3A_3 = arith.constant 80 : i32
    %mul3A_4 = arith.muli %arg1, %mul3A_3 : i32
    %add3A_5 = arith.constant 0 : i32
    %add3A_6 = arith.addi %mul3A_4, %add3A_5 : i32
    "tpu.region"() ({
      %run_scoped3A = tpu.sem_alloc : memref<!tpu.dma_semaphore, #tpu.memory_space<semaphore_mem>>
      %dma_start3A_92 = arith.constant 0 : i32
      %dma_start3A_93 = tpu.memref_slice %arg2[%add3A_6, %dma_start3A_92] : memref<1280x125xi32, #tpu.memory_space<hbm>> -> memref<40x125xi32, #tpu.memory_space<hbm>>
      %dma_start3A_94 = arith.constant 0 : i32
      %dma_start3A_95 = tpu.memref_slice %arg2[%add3A_6, %dma_start3A_94] : memref<1280x125xi32, #tpu.memory_space<hbm>> -> memref<40x125xi32, #tpu.memory_space<hbm>>
      tpu.enqueue_dma source(%dma_start3A_95 : memref<40x125xi32, #tpu.memory_space<hbm>>) target(%arg7 : memref<40x125xi32, #tpu.memory_space<vmem>>) target_semaphore(%run_scoped3A : memref<!tpu.dma_semaphore, #tpu.memory_space<semaphore_mem>>)
      %dma_wait3A = arith.constant 0 : i32
      %dma_wait3A_96 = tpu.memref_slice %arg2[%add3A_6, %dma_wait3A] : memref<1280x125xi32, #tpu.memory_space<hbm>> -> memref<40x125xi32, #tpu.memory_space<hbm>>
      %dma_wait3A_97 = arith.constant 0 : i32
      %dma_wait3A_98 = tpu.memref_slice %arg2[%add3A_6, %dma_wait3A_97] : memref<1280x125xi32, #tpu.memory_space<hbm>> -> memref<40x125xi32, #tpu.memory_space<hbm>>
      tpu.wait_dma2 semaphore(%run_scoped3A : memref<!tpu.dma_semaphore, #tpu.memory_space<semaphore_mem>>) src(%dma_wait3A_98 : memref<40x125xi32, #tpu.memory_space<hbm>>) dst(%arg7 : memref<40x125xi32, #tpu.memory_space<vmem>>)
      tpu.yield
    }) : () -> ()
    %mul3A_7 = arith.constant 80 : i32
    %mul3A_8 = arith.muli %arg1, %mul3A_7 : i32
    %add3A_9 = arith.constant 0 : i32
    %add3A_10 = arith.addi %mul3A_8, %add3A_9 : i32
    "tpu.region"() ({
      %run_scoped3A = tpu.sem_alloc : memref<!tpu.dma_semaphore, #tpu.memory_space<semaphore_mem>>
      %dma_start3A_92 = arith.constant 0 : i32
      %dma_start3A_93 = tpu.memref_slice %arg3[%add3A_10, %dma_start3A_92] : memref<1280x125xi32, #tpu.memory_space<hbm>> -> memref<40x125xi32, #tpu.memory_space<hbm>>
      %dma_start3A_94 = arith.constant 0 : i32
      %dma_start3A_95 = tpu.memref_slice %arg3[%add3A_10, %dma_start3A_94] : memref<1280x125xi32, #tpu.memory_space<hbm>> -> memref<40x125xi32, #tpu.memory_space<hbm>>
      tpu.enqueue_dma source(%dma_start3A_95 : memref<40x125xi32, #tpu.memory_space<hbm>>) target(%arg8 : memref<40x125xi32, #tpu.memory_space<vmem>>) target_semaphore(%run_scoped3A : memref<!tpu.dma_semaphore, #tpu.memory_space<semaphore_mem>>)
      %dma_wait3A = arith.constant 0 : i32
      %dma_wait3A_96 = tpu.memref_slice %arg3[%add3A_10, %dma_wait3A] : memref<1280x125xi32, #tpu.memory_space<hbm>> -> memref<40x125xi32, #tpu.memory_space<hbm>>
      %dma_wait3A_97 = arith.constant 0 : i32
      %dma_wait3A_98 = tpu.memref_slice %arg3[%add3A_10, %dma_wait3A_97] : memref<1280x125xi32, #tpu.memory_space<hbm>> -> memref<40x125xi32, #tpu.memory_space<hbm>>
      tpu.wait_dma2 semaphore(%run_scoped3A : memref<!tpu.dma_semaphore, #tpu.memory_space<semaphore_mem>>) src(%dma_wait3A_98 : memref<40x125xi32, #tpu.memory_space<hbm>>) dst(%arg8 : memref<40x125xi32, #tpu.memory_space<vmem>>)
      tpu.yield
    }) : () -> ()
    %barrier3A = arith.constant 0 : index
    tpu.barrier barrier_id(%barrier3A)
    %dma_start3A = arith.constant 0 : i32
    %dma_start3A_11 = arith.constant 0 : i32
    %dma_start3A_12 = tpu.memref_slice %arg7[%dma_start3A, %dma_start3A_11] : memref<40x125xi32, #tpu.memory_space<vmem>> -> memref<1x125xi32, #tpu.memory_space<vmem>>
    %dma_start3A_13 = tpu.memref_squeeze %dma_start3A_12 : memref<1x125xi32, #tpu.memory_space<vmem>> -> memref<125xi32, #tpu.memory_space<vmem>>
    %dma_start3A_14 = arith.constant 0 : i32
    %dma_start3A_15 = arith.constant 0 : i32
    %dma_start3A_16 = tpu.memref_slice %arg4[%arg0, %dma_start3A_14, %dma_start3A_15] : memref<3x10240x128xf32, #tpu.memory_space<hbm>> -> memref<1x10240x128xf32, #tpu.memory_space<hbm>>
    %dma_start3A_17 = tpu.memref_squeeze %dma_start3A_16 : memref<1x10240x128xf32, #tpu.memory_space<hbm>> -> memref<10240x128xf32, #tpu.memory_space<hbm>>
    %dma_start3A_18 = arith.constant 0 : i32
    %dma_start3A_19 = arith.constant 0 : i32
    %dma_start3A_20 = tpu.memref_slice %dma_start3A_17[%dma_start3A_18, %dma_start3A_19] : memref<10240x128xf32, #tpu.memory_space<hbm>> -> memref<10240x128xf32, #tpu.memory_space<hbm>>
    tpu.enqueue_indirect_dma source(%dma_start3A_20 : memref<10240x128xf32, #tpu.memory_space<hbm>>) target(%arg9 : memref<125x128xf32, #tpu.memory_space<vmem>>) offsets(%dma_start3A_13 : memref<125xi32, #tpu.memory_space<vmem>>) semaphore(%arg11 : memref<!tpu.dma_semaphore, #tpu.memory_space<semaphore_mem>>)
    %scan3A = arith.constant 0 : i32
    %scan3A_21 = arith.constant 20 : i32
    %scan3A_22 = arith.addi %scan3A, %scan3A_21 : i32
    %scan3A_23 = arith.constant 1 : i32
    scf.for %scan3A_92 = %scan3A to %scan3A_22 step %scan3A_23  : i32 {
      %mul3A_93 = arith.constant 2 : i32
      %mul3A_94 = arith.muli %scan3A_92, %mul3A_93 : i32
      %add3A_95 = arith.constant 0 : i32
      %add3A_96 = arith.addi %add3A_95, %mul3A_94 : i32
      %add3A_97 = arith.constant 1 : i32
      %add3A_98 = arith.addi %add3A_96, %add3A_97 : i32
      %dma_start3A_99 = arith.constant 0 : i32
      %dma_start3A_100 = tpu.memref_slice %arg7[%add3A_98, %dma_start3A_99] : memref<40x125xi32, #tpu.memory_space<vmem>> -> memref<1x125xi32, #tpu.memory_space<vmem>>
      %dma_start3A_101 = tpu.memref_squeeze %dma_start3A_100 : memref<1x125xi32, #tpu.memory_space<vmem>> -> memref<125xi32, #tpu.memory_space<vmem>>
      %dma_start3A_102 = arith.constant 0 : i32
      %dma_start3A_103 = arith.constant 0 : i32
      %dma_start3A_104 = tpu.memref_slice %arg4[%arg0, %dma_start3A_102, %dma_start3A_103] : memref<3x10240x128xf32, #tpu.memory_space<hbm>> -> memref<1x10240x128xf32, #tpu.memory_space<hbm>>
      %dma_start3A_105 = tpu.memref_squeeze %dma_start3A_104 : memref<1x10240x128xf32, #tpu.memory_space<hbm>> -> memref<10240x128xf32, #tpu.memory_space<hbm>>
      %dma_start3A_106 = arith.constant 0 : i32
      %dma_start3A_107 = arith.constant 0 : i32
      %dma_start3A_108 = tpu.memref_slice %dma_start3A_105[%dma_start3A_106, %dma_start3A_107] : memref<10240x128xf32, #tpu.memory_space<hbm>> -> memref<10240x128xf32, #tpu.memory_space<hbm>>
      tpu.enqueue_indirect_dma source(%dma_start3A_108 : memref<10240x128xf32, #tpu.memory_space<hbm>>) target(%arg10 : memref<125x128xf32, #tpu.memory_space<vmem>>) offsets(%dma_start3A_101 : memref<125xi32, #tpu.memory_space<vmem>>) semaphore(%arg12 : memref<!tpu.dma_semaphore, #tpu.memory_space<semaphore_mem>>)
      %dma_wait3A = arith.constant 0 : i32
      %dma_wait3A_109 = tpu.memref_slice %arg7[%add3A_96, %dma_wait3A] : memref<40x125xi32, #tpu.memory_space<vmem>> -> memref<1x125xi32, #tpu.memory_space<vmem>>
      %dma_wait3A_110 = tpu.memref_squeeze %dma_wait3A_109 : memref<1x125xi32, #tpu.memory_space<vmem>> -> memref<125xi32, #tpu.memory_space<vmem>>
      %dma_wait3A_111 = arith.constant 0 : i32
      %dma_wait3A_112 = arith.constant 0 : i32
      %dma_wait3A_113 = tpu.memref_slice %arg4[%arg0, %dma_wait3A_111, %dma_wait3A_112] : memref<3x10240x128xf32, #tpu.memory_space<hbm>> -> memref<1x10240x128xf32, #tpu.memory_space<hbm>>
      %dma_wait3A_114 = tpu.memref_squeeze %dma_wait3A_113 : memref<1x10240x128xf32, #tpu.memory_space<hbm>> -> memref<10240x128xf32, #tpu.memory_space<hbm>>
      %dma_wait3A_115 = arith.constant 0 : i32
      %dma_wait3A_116 = arith.constant 0 : i32
      %dma_wait3A_117 = tpu.memref_slice %dma_wait3A_114[%dma_wait3A_115, %dma_wait3A_116] : memref<10240x128xf32, #tpu.memory_space<hbm>> -> memref<10240x128xf32, #tpu.memory_space<hbm>>
      tpu.wait_indirect_dma semaphore(%arg11 : memref<!tpu.dma_semaphore, #tpu.memory_space<semaphore_mem>>) src(%dma_wait3A_117 : memref<10240x128xf32, #tpu.memory_space<hbm>>) dst(%arg9 : memref<125x128xf32, #tpu.memory_space<vmem>>)
      "tpu.region"() ({
        %run_scoped3A = tpu.sem_alloc : memref<!tpu.dma_semaphore, #tpu.memory_space<semaphore_mem>>
        %dma_start3A_136 = arith.constant 0 : i32
        %dma_start3A_137 = tpu.memref_slice %arg8[%add3A_96, %dma_start3A_136] : memref<40x125xi32, #tpu.memory_space<vmem>> -> memref<1x125xi32, #tpu.memory_space<vmem>>
        %dma_start3A_138 = tpu.memref_squeeze %dma_start3A_137 : memref<1x125xi32, #tpu.memory_space<vmem>> -> memref<125xi32, #tpu.memory_space<vmem>>
        %dma_start3A_139 = arith.constant 0 : i32
        %dma_start3A_140 = arith.constant 0 : i32
        %dma_start3A_141 = tpu.memref_slice %arg13[%dma_start3A_139, %dma_start3A_140] : memref<10240x128xf32, #tpu.memory_space<vmem_shared>> -> memref<10240x128xf32, #tpu.memory_space<vmem_shared>>
        tpu.enqueue_indirect_dma source(%arg9 : memref<125x128xf32, #tpu.memory_space<vmem>>) target(%dma_start3A_141 : memref<10240x128xf32, #tpu.memory_space<vmem_shared>>) offsets(%dma_start3A_138 : memref<125xi32, #tpu.memory_space<vmem>>) semaphore(%run_scoped3A : memref<!tpu.dma_semaphore, #tpu.memory_space<semaphore_mem>>) {add = true}
        %dma_wait3A_142 = arith.constant 0 : i32
        %dma_wait3A_143 = tpu.memref_slice %arg8[%add3A_96, %dma_wait3A_142] : memref<40x125xi32, #tpu.memory_space<vmem>> -> memref<1x125xi32, #tpu.memory_space<vmem>>
        %dma_wait3A_144 = tpu.memref_squeeze %dma_wait3A_143 : memref<1x125xi32, #tpu.memory_space<vmem>> -> memref<125xi32, #tpu.memory_space<vmem>>
        %dma_wait3A_145 = arith.constant 0 : i32
        %dma_wait3A_146 = arith.constant 0 : i32
        %dma_wait3A_147 = tpu.memref_slice %arg13[%dma_wait3A_145, %dma_wait3A_146] : memref<10240x128xf32, #tpu.memory_space<vmem_shared>> -> memref<10240x128xf32, #tpu.memory_space<vmem_shared>>
        tpu.wait_indirect_dma semaphore(%run_scoped3A : memref<!tpu.dma_semaphore, #tpu.memory_space<semaphore_mem>>) src(%arg9 : memref<125x128xf32, #tpu.memory_space<vmem>>) dst(%dma_wait3A_147 : memref<10240x128xf32, #tpu.memory_space<vmem_shared>>)
        tpu.yield
      }) : () -> ()
      %add3A_118 = arith.constant 2 : i32
      %add3A_119 = arith.addi %add3A_96, %add3A_118 : i32
      %lt3A = arith.constant 40 : i32
      %lt3A_120 = arith.cmpi slt, %add3A_119, %lt3A : i32
      %convert_element_type3A = arith.extui %lt3A_120 : i1 to i32
      %cond3A = arith.constant 0 : i32
      %cond3A_121 = arith.cmpi ne, %convert_element_type3A, %cond3A : i32
      scf.if %cond3A_121 {
        %add3A_136 = arith.constant 2 : i32
        %add3A_137 = arith.addi %add3A_96, %add3A_136 : i32
        %dma_start3A_138 = arith.constant 0 : i32
        %dma_start3A_139 = tpu.memref_slice %arg7[%add3A_137, %dma_start3A_138] : memref<40x125xi32, #tpu.memory_space<vmem>> -> memref<1x125xi32, #tpu.memory_space<vmem>>
        %dma_start3A_140 = tpu.memref_squeeze %dma_start3A_139 : memref<1x125xi32, #tpu.memory_space<vmem>> -> memref<125xi32, #tpu.memory_space<vmem>>
        %dma_start3A_141 = arith.constant 0 : i32
        %dma_start3A_142 = arith.constant 0 : i32
        %dma_start3A_143 = tpu.memref_slice %arg4[%arg0, %dma_start3A_141, %dma_start3A_142] : memref<3x10240x128xf32, #tpu.memory_space<hbm>> -> memref<1x10240x128xf32, #tpu.memory_space<hbm>>
        %dma_start3A_144 = tpu.memref_squeeze %dma_start3A_143 : memref<1x10240x128xf32, #tpu.memory_space<hbm>> -> memref<10240x128xf32, #tpu.memory_space<hbm>>
        %dma_start3A_145 = arith.constant 0 : i32
        %dma_start3A_146 = arith.constant 0 : i32
        %dma_start3A_147 = tpu.memref_slice %dma_start3A_144[%dma_start3A_145, %dma_start3A_146] : memref<10240x128xf32, #tpu.memory_space<hbm>> -> memref<10240x128xf32, #tpu.memory_space<hbm>>
        tpu.enqueue_indirect_dma source(%dma_start3A_147 : memref<10240x128xf32, #tpu.memory_space<hbm>>) target(%arg9 : memref<125x128xf32, #tpu.memory_space<vmem>>) offsets(%dma_start3A_140 : memref<125xi32, #tpu.memory_space<vmem>>) semaphore(%arg11 : memref<!tpu.dma_semaphore, #tpu.memory_space<semaphore_mem>>)
      } else {
      }
      %add3A_122 = arith.constant 1 : i32
      %add3A_123 = arith.addi %add3A_96, %add3A_122 : i32
      %dma_wait3A_124 = arith.constant 0 : i32
      %dma_wait3A_125 = tpu.memref_slice %arg7[%add3A_123, %dma_wait3A_124] : memref<40x125xi32, #tpu.memory_space<vmem>> -> memref<1x125xi32, #tpu.memory_space<vmem>>
      %dma_wait3A_126 = tpu.memref_squeeze %dma_wait3A_125 : memref<1x125xi32, #tpu.memory_space<vmem>> -> memref<125xi32, #tpu.memory_space<vmem>>
      %dma_wait3A_127 = arith.constant 0 : i32
      %dma_wait3A_128 = arith.constant 0 : i32
      %dma_wait3A_129 = tpu.memref_slice %arg4[%arg0, %dma_wait3A_127, %dma_wait3A_128] : memref<3x10240x128xf32, #tpu.memory_space<hbm>> -> memref<1x10240x128xf32, #tpu.memory_space<hbm>>
      %dma_wait3A_130 = tpu.memref_squeeze %dma_wait3A_129 : memref<1x10240x128xf32, #tpu.memory_space<hbm>> -> memref<10240x128xf32, #tpu.memory_space<hbm>>
      %dma_wait3A_131 = arith.constant 0 : i32
      %dma_wait3A_132 = arith.constant 0 : i32
      %dma_wait3A_133 = tpu.memref_slice %dma_wait3A_130[%dma_wait3A_131, %dma_wait3A_132] : memref<10240x128xf32, #tpu.memory_space<hbm>> -> memref<10240x128xf32, #tpu.memory_space<hbm>>
      tpu.wait_indirect_dma semaphore(%arg12 : memref<!tpu.dma_semaphore, #tpu.memory_space<semaphore_mem>>) src(%dma_wait3A_133 : memref<10240x128xf32, #tpu.memory_space<hbm>>) dst(%arg10 : memref<125x128xf32, #tpu.memory_space<vmem>>)
      %add3A_134 = arith.constant 1 : i32
      %add3A_135 = arith.addi %add3A_96, %add3A_134 : i32
      "tpu.region"() ({
        %run_scoped3A = tpu.sem_alloc : memref<!tpu.dma_semaphore, #tpu.memory_space<semaphore_mem>>
        %dma_start3A_136 = arith.constant 0 : i32
        %dma_start3A_137 = tpu.memref_slice %arg8[%add3A_135, %dma_start3A_136] : memref<40x125xi32, #tpu.memory_space<vmem>> -> memref<1x125xi32, #tpu.memory_space<vmem>>
        %dma_start3A_138 = tpu.memref_squeeze %dma_start3A_137 : memref<1x125xi32, #tpu.memory_space<vmem>> -> memref<125xi32, #tpu.memory_space<vmem>>
        %dma_start3A_139 = arith.constant 0 : i32
        %dma_start3A_140 = arith.constant 0 : i32
        %dma_start3A_141 = tpu.memref_slice %arg13[%dma_start3A_139, %dma_start3A_140] : memref<10240x128xf32, #tpu.memory_space<vmem_shared>> -> memref<10240x128xf32, #tpu.memory_space<vmem_shared>>
        tpu.enqueue_indirect_dma source(%arg10 : memref<125x128xf32, #tpu.memory_space<vmem>>) target(%dma_start3A_141 : memref<10240x128xf32, #tpu.memory_space<vmem_shared>>) offsets(%dma_start3A_138 : memref<125xi32, #tpu.memory_space<vmem>>) semaphore(%run_scoped3A : memref<!tpu.dma_semaphore, #tpu.memory_space<semaphore_mem>>) {add = true}
        %dma_wait3A_142 = arith.constant 0 : i32
        %dma_wait3A_143 = tpu.memref_slice %arg8[%add3A_135, %dma_wait3A_142] : memref<40x125xi32, #tpu.memory_space<vmem>> -> memref<1x125xi32, #tpu.memory_space<vmem>>
        %dma_wait3A_144 = tpu.memref_squeeze %dma_wait3A_143 : memref<1x125xi32, #tpu.memory_space<vmem>> -> memref<125xi32, #tpu.memory_space<vmem>>
        %dma_wait3A_145 = arith.constant 0 : i32
        %dma_wait3A_146 = arith.constant 0 : i32
        %dma_wait3A_147 = tpu.memref_slice %arg13[%dma_wait3A_145, %dma_wait3A_146] : memref<10240x128xf32, #tpu.memory_space<vmem_shared>> -> memref<10240x128xf32, #tpu.memory_space<vmem_shared>>
        tpu.wait_indirect_dma semaphore(%run_scoped3A : memref<!tpu.dma_semaphore, #tpu.memory_space<semaphore_mem>>) src(%arg10 : memref<125x128xf32, #tpu.memory_space<vmem>>) dst(%dma_wait3A_147 : memref<10240x128xf32, #tpu.memory_space<vmem_shared>>)
        tpu.yield
      }) : () -> ()
    }
    %scan3A_24 = arith.constant 20 : i32
    %mul3A_25 = arith.constant 80 : i32
    %mul3A_26 = arith.muli %arg1, %mul3A_25 : i32
    %add3A_27 = arith.constant 40 : i32
    %add3A_28 = arith.addi %mul3A_26, %add3A_27 : i32
    "tpu.region"() ({
      %run_scoped3A = tpu.sem_alloc : memref<!tpu.dma_semaphore, #tpu.memory_space<semaphore_mem>>
      %dma_start3A_92 = arith.constant 0 : i32
      %dma_start3A_93 = tpu.memref_slice %arg2[%add3A_28, %dma_start3A_92] : memref<1280x125xi32, #tpu.memory_space<hbm>> -> memref<40x125xi32, #tpu.memory_space<hbm>>
      %dma_start3A_94 = arith.constant 0 : i32
      %dma_start3A_95 = tpu.memref_slice %arg2[%add3A_28, %dma_start3A_94] : memref<1280x125xi32, #tpu.memory_space<hbm>> -> memref<40x125xi32, #tpu.memory_space<hbm>>
      tpu.enqueue_dma source(%dma_start3A_95 : memref<40x125xi32, #tpu.memory_space<hbm>>) target(%arg7 : memref<40x125xi32, #tpu.memory_space<vmem>>) target_semaphore(%run_scoped3A : memref<!tpu.dma_semaphore, #tpu.memory_space<semaphore_mem>>)
      %dma_wait3A = arith.constant 0 : i32
      %dma_wait3A_96 = tpu.memref_slice %arg2[%add3A_28, %dma_wait3A] : memref<1280x125xi32, #tpu.memory_space<hbm>> -> memref<40x125xi32, #tpu.memory_space<hbm>>
      %dma_wait3A_97 = arith.constant 0 : i32
      %dma_wait3A_98 = tpu.memref_slice %arg2[%add3A_28, %dma_wait3A_97] : memref<1280x125xi32, #tpu.memory_space<hbm>> -> memref<40x125xi32, #tpu.memory_space<hbm>>
      tpu.wait_dma2 semaphore(%run_scoped3A : memref<!tpu.dma_semaphore, #tpu.memory_space<semaphore_mem>>) src(%dma_wait3A_98 : memref<40x125xi32, #tpu.memory_space<hbm>>) dst(%arg7 : memref<40x125xi32, #tpu.memory_space<vmem>>)
      tpu.yield
    }) : () -> ()
    %mul3A_29 = arith.constant 80 : i32
    %mul3A_30 = arith.muli %arg1, %mul3A_29 : i32
    %add3A_31 = arith.constant 40 : i32
    %add3A_32 = arith.addi %mul3A_30, %add3A_31 : i32
    "tpu.region"() ({
      %run_scoped3A = tpu.sem_alloc : memref<!tpu.dma_semaphore, #tpu.memory_space<semaphore_mem>>
      %dma_start3A_92 = arith.constant 0 : i32
      %dma_start3A_93 = tpu.memref_slice %arg3[%add3A_32, %dma_start3A_92] : memref<1280x125xi32, #tpu.memory_space<hbm>> -> memref<40x125xi32, #tpu.memory_space<hbm>>
      %dma_start3A_94 = arith.constant 0 : i32
      %dma_start3A_95 = tpu.memref_slice %arg3[%add3A_32, %dma_start3A_94] : memref<1280x125xi32, #tpu.memory_space<hbm>> -> memref<40x125xi32, #tpu.memory_space<hbm>>
      tpu.enqueue_dma source(%dma_start3A_95 : memref<40x125xi32, #tpu.memory_space<hbm>>) target(%arg8 : memref<40x125xi32, #tpu.memory_space<vmem>>) target_semaphore(%run_scoped3A : memref<!tpu.dma_semaphore, #tpu.memory_space<semaphore_mem>>)
      %dma_wait3A = arith.constant 0 : i32
      %dma_wait3A_96 = tpu.memref_slice %arg3[%add3A_32, %dma_wait3A] : memref<1280x125xi32, #tpu.memory_space<hbm>> -> memref<40x125xi32, #tpu.memory_space<hbm>>
      %dma_wait3A_97 = arith.constant 0 : i32
      %dma_wait3A_98 = tpu.memref_slice %arg3[%add3A_32, %dma_wait3A_97] : memref<1280x125xi32, #tpu.memory_space<hbm>> -> memref<40x125xi32, #tpu.memory_space<hbm>>
      tpu.wait_dma2 semaphore(%run_scoped3A : memref<!tpu.dma_semaphore, #tpu.memory_space<semaphore_mem>>) src(%dma_wait3A_98 : memref<40x125xi32, #tpu.memory_space<hbm>>) dst(%arg8 : memref<40x125xi32, #tpu.memory_space<vmem>>)
      tpu.yield
    }) : () -> ()
    %dma_start3A_33 = arith.constant 0 : i32
    %dma_start3A_34 = arith.constant 0 : i32
    %dma_start3A_35 = tpu.memref_slice %arg7[%dma_start3A_33, %dma_start3A_34] : memref<40x125xi32, #tpu.memory_space<vmem>> -> memref<1x125xi32, #tpu.memory_space<vmem>>
    %dma_start3A_36 = tpu.memref_squeeze %dma_start3A_35 : memref<1x125xi32, #tpu.memory_space<vmem>> -> memref<125xi32, #tpu.memory_space<vmem>>
    %dma_start3A_37 = arith.constant 0 : i32
    %dma_start3A_38 = arith.constant 0 : i32
    %dma_start3A_39 = tpu.memref_slice %arg4[%arg0, %dma_start3A_37, %dma_start3A_38] : memref<3x10240x128xf32, #tpu.memory_space<hbm>> -> memref<1x10240x128xf32, #tpu.memory_space<hbm>>
    %dma_start3A_40 = tpu.memref_squeeze %dma_start3A_39 : memref<1x10240x128xf32, #tpu.memory_space<hbm>> -> memref<10240x128xf32, #tpu.memory_space<hbm>>
    %dma_start3A_41 = arith.constant 0 : i32
    %dma_start3A_42 = arith.constant 0 : i32
    %dma_start3A_43 = tpu.memref_slice %dma_start3A_40[%dma_start3A_41, %dma_start3A_42] : memref<10240x128xf32, #tpu.memory_space<hbm>> -> memref<10240x128xf32, #tpu.memory_space<hbm>>
    tpu.enqueue_indirect_dma source(%dma_start3A_43 : memref<10240x128xf32, #tpu.memory_space<hbm>>) target(%arg9 : memref<125x128xf32, #tpu.memory_space<vmem>>) offsets(%dma_start3A_36 : memref<125xi32, #tpu.memory_space<vmem>>) semaphore(%arg11 : memref<!tpu.dma_semaphore, #tpu.memory_space<semaphore_mem>>)
    %scan3A_44 = arith.constant 0 : i32
    %scan3A_45 = arith.constant 20 : i32
    %scan3A_46 = arith.addi %scan3A_44, %scan3A_45 : i32
    %scan3A_47 = arith.constant 1 : i32
    scf.for %scan3A_92 = %scan3A_44 to %scan3A_46 step %scan3A_47  : i32 {
      %mul3A_93 = arith.constant 2 : i32
      %mul3A_94 = arith.muli %scan3A_92, %mul3A_93 : i32
      %add3A_95 = arith.constant 0 : i32
      %add3A_96 = arith.addi %add3A_95, %mul3A_94 : i32
      %add3A_97 = arith.constant 1 : i32
      %add3A_98 = arith.addi %add3A_96, %add3A_97 : i32
      %dma_start3A_99 = arith.constant 0 : i32
      %dma_start3A_100 = tpu.memref_slice %arg7[%add3A_98, %dma_start3A_99] : memref<40x125xi32, #tpu.memory_space<vmem>> -> memref<1x125xi32, #tpu.memory_space<vmem>>
      %dma_start3A_101 = tpu.memref_squeeze %dma_start3A_100 : memref<1x125xi32, #tpu.memory_space<vmem>> -> memref<125xi32, #tpu.memory_space<vmem>>
      %dma_start3A_102 = arith.constant 0 : i32
      %dma_start3A_103 = arith.constant 0 : i32
      %dma_start3A_104 = tpu.memref_slice %arg4[%arg0, %dma_start3A_102, %dma_start3A_103] : memref<3x10240x128xf32, #tpu.memory_space<hbm>> -> memref<1x10240x128xf32, #tpu.memory_space<hbm>>
      %dma_start3A_105 = tpu.memref_squeeze %dma_start3A_104 : memref<1x10240x128xf32, #tpu.memory_space<hbm>> -> memref<10240x128xf32, #tpu.memory_space<hbm>>
      %dma_start3A_106 = arith.constant 0 : i32
      %dma_start3A_107 = arith.constant 0 : i32
      %dma_start3A_108 = tpu.memref_slice %dma_start3A_105[%dma_start3A_106, %dma_start3A_107] : memref<10240x128xf32, #tpu.memory_space<hbm>> -> memref<10240x128xf32, #tpu.memory_space<hbm>>
      tpu.enqueue_indirect_dma source(%dma_start3A_108 : memref<10240x128xf32, #tpu.memory_space<hbm>>) target(%arg10 : memref<125x128xf32, #tpu.memory_space<vmem>>) offsets(%dma_start3A_101 : memref<125xi32, #tpu.memory_space<vmem>>) semaphore(%arg12 : memref<!tpu.dma_semaphore, #tpu.memory_space<semaphore_mem>>)
      %dma_wait3A = arith.constant 0 : i32
      %dma_wait3A_109 = tpu.memref_slice %arg7[%add3A_96, %dma_wait3A] : memref<40x125xi32, #tpu.memory_space<vmem>> -> memref<1x125xi32, #tpu.memory_space<vmem>>
      %dma_wait3A_110 = tpu.memref_squeeze %dma_wait3A_109 : memref<1x125xi32, #tpu.memory_space<vmem>> -> memref<125xi32, #tpu.memory_space<vmem>>
      %dma_wait3A_111 = arith.constant 0 : i32
      %dma_wait3A_112 = arith.constant 0 : i32
      %dma_wait3A_113 = tpu.memref_slice %arg4[%arg0, %dma_wait3A_111, %dma_wait3A_112] : memref<3x10240x128xf32, #tpu.memory_space<hbm>> -> memref<1x10240x128xf32, #tpu.memory_space<hbm>>
      %dma_wait3A_114 = tpu.memref_squeeze %dma_wait3A_113 : memref<1x10240x128xf32, #tpu.memory_space<hbm>> -> memref<10240x128xf32, #tpu.memory_space<hbm>>
      %dma_wait3A_115 = arith.constant 0 : i32
      %dma_wait3A_116 = arith.constant 0 : i32
      %dma_wait3A_117 = tpu.memref_slice %dma_wait3A_114[%dma_wait3A_115, %dma_wait3A_116] : memref<10240x128xf32, #tpu.memory_space<hbm>> -> memref<10240x128xf32, #tpu.memory_space<hbm>>
      tpu.wait_indirect_dma semaphore(%arg11 : memref<!tpu.dma_semaphore, #tpu.memory_space<semaphore_mem>>) src(%dma_wait3A_117 : memref<10240x128xf32, #tpu.memory_space<hbm>>) dst(%arg9 : memref<125x128xf32, #tpu.memory_space<vmem>>)
      "tpu.region"() ({
        %run_scoped3A = tpu.sem_alloc : memref<!tpu.dma_semaphore, #tpu.memory_space<semaphore_mem>>
        %dma_start3A_136 = arith.constant 0 : i32
        %dma_start3A_137 = tpu.memref_slice %arg8[%add3A_96, %dma_start3A_136] : memref<40x125xi32, #tpu.memory_space<vmem>> -> memref<1x125xi32, #tpu.memory_space<vmem>>
        %dma_start3A_138 = tpu.memref_squeeze %dma_start3A_137 : memref<1x125xi32, #tpu.memory_space<vmem>> -> memref<125xi32, #tpu.memory_space<vmem>>
        %dma_start3A_139 = arith.constant 0 : i32
        %dma_start3A_140 = arith.constant 0 : i32
        %dma_start3A_141 = tpu.memref_slice %arg13[%dma_start3A_139, %dma_start3A_140] : memref<10240x128xf32, #tpu.memory_space<vmem_shared>> -> memref<10240x128xf32, #tpu.memory_space<vmem_shared>>
        tpu.enqueue_indirect_dma source(%arg9 : memref<125x128xf32, #tpu.memory_space<vmem>>) target(%dma_start3A_141 : memref<10240x128xf32, #tpu.memory_space<vmem_shared>>) offsets(%dma_start3A_138 : memref<125xi32, #tpu.memory_space<vmem>>) semaphore(%run_scoped3A : memref<!tpu.dma_semaphore, #tpu.memory_space<semaphore_mem>>) {add = true}
        %dma_wait3A_142 = arith.constant 0 : i32
        %dma_wait3A_143 = tpu.memref_slice %arg8[%add3A_96, %dma_wait3A_142] : memref<40x125xi32, #tpu.memory_space<vmem>> -> memref<1x125xi32, #tpu.memory_space<vmem>>
        %dma_wait3A_144 = tpu.memref_squeeze %dma_wait3A_143 : memref<1x125xi32, #tpu.memory_space<vmem>> -> memref<125xi32, #tpu.memory_space<vmem>>
        %dma_wait3A_145 = arith.constant 0 : i32
        %dma_wait3A_146 = arith.constant 0 : i32
        %dma_wait3A_147 = tpu.memref_slice %arg13[%dma_wait3A_145, %dma_wait3A_146] : memref<10240x128xf32, #tpu.memory_space<vmem_shared>> -> memref<10240x128xf32, #tpu.memory_space<vmem_shared>>
        tpu.wait_indirect_dma semaphore(%run_scoped3A : memref<!tpu.dma_semaphore, #tpu.memory_space<semaphore_mem>>) src(%arg9 : memref<125x128xf32, #tpu.memory_space<vmem>>) dst(%dma_wait3A_147 : memref<10240x128xf32, #tpu.memory_space<vmem_shared>>)
        tpu.yield
      }) : () -> ()
      %add3A_118 = arith.constant 2 : i32
      %add3A_119 = arith.addi %add3A_96, %add3A_118 : i32
      %lt3A = arith.constant 40 : i32
      %lt3A_120 = arith.cmpi slt, %add3A_119, %lt3A : i32
      %convert_element_type3A = arith.extui %lt3A_120 : i1 to i32
      %cond3A = arith.constant 0 : i32
      %cond3A_121 = arith.cmpi ne, %convert_element_type3A, %cond3A : i32
      scf.if %cond3A_121 {
        %add3A_136 = arith.constant 2 : i32
        %add3A_137 = arith.addi %add3A_96, %add3A_136 : i32
        %dma_start3A_138 = arith.constant 0 : i32
        %dma_start3A_139 = tpu.memref_slice %arg7[%add3A_137, %dma_start3A_138] : memref<40x125xi32, #tpu.memory_space<vmem>> -> memref<1x125xi32, #tpu.memory_space<vmem>>
        %dma_start3A_140 = tpu.memref_squeeze %dma_start3A_139 : memref<1x125xi32, #tpu.memory_space<vmem>> -> memref<125xi32, #tpu.memory_space<vmem>>
        %dma_start3A_141 = arith.constant 0 : i32
        %dma_start3A_142 = arith.constant 0 : i32
        %dma_start3A_143 = tpu.memref_slice %arg4[%arg0, %dma_start3A_141, %dma_start3A_142] : memref<3x10240x128xf32, #tpu.memory_space<hbm>> -> memref<1x10240x128xf32, #tpu.memory_space<hbm>>
        %dma_start3A_144 = tpu.memref_squeeze %dma_start3A_143 : memref<1x10240x128xf32, #tpu.memory_space<hbm>> -> memref<10240x128xf32, #tpu.memory_space<hbm>>
        %dma_start3A_145 = arith.constant 0 : i32
        %dma_start3A_146 = arith.constant 0 : i32
        %dma_start3A_147 = tpu.memref_slice %dma_start3A_144[%dma_start3A_145, %dma_start3A_146] : memref<10240x128xf32, #tpu.memory_space<hbm>> -> memref<10240x128xf32, #tpu.memory_space<hbm>>
        tpu.enqueue_indirect_dma source(%dma_start3A_147 : memref<10240x128xf32, #tpu.memory_space<hbm>>) target(%arg9 : memref<125x128xf32, #tpu.memory_space<vmem>>) offsets(%dma_start3A_140 : memref<125xi32, #tpu.memory_space<vmem>>) semaphore(%arg11 : memref<!tpu.dma_semaphore, #tpu.memory_space<semaphore_mem>>)
      } else {
      }
      %add3A_122 = arith.constant 1 : i32
      %add3A_123 = arith.addi %add3A_96, %add3A_122 : i32
      %dma_wait3A_124 = arith.constant 0 : i32
      %dma_wait3A_125 = tpu.memref_slice %arg7[%add3A_123, %dma_wait3A_124] : memref<40x125xi32, #tpu.memory_space<vmem>> -> memref<1x125xi32, #tpu.memory_space<vmem>>
      %dma_wait3A_126 = tpu.memref_squeeze %dma_wait3A_125 : memref<1x125xi32, #tpu.memory_space<vmem>> -> memref<125xi32, #tpu.memory_space<vmem>>
      %dma_wait3A_127 = arith.constant 0 : i32
      %dma_wait3A_128 = arith.constant 0 : i32
      %dma_wait3A_129 = tpu.memref_slice %arg4[%arg0, %dma_wait3A_127, %dma_wait3A_128] : memref<3x10240x128xf32, #tpu.memory_space<hbm>> -> memref<1x10240x128xf32, #tpu.memory_space<hbm>>
      %dma_wait3A_130 = tpu.memref_squeeze %dma_wait3A_129 : memref<1x10240x128xf32, #tpu.memory_space<hbm>> -> memref<10240x128xf32, #tpu.memory_space<hbm>>
      %dma_wait3A_131 = arith.constant 0 : i32
      %dma_wait3A_132 = arith.constant 0 : i32
      %dma_wait3A_133 = tpu.memref_slice %dma_wait3A_130[%dma_wait3A_131, %dma_wait3A_132] : memref<10240x128xf32, #tpu.memory_space<hbm>> -> memref<10240x128xf32, #tpu.memory_space<hbm>>
      tpu.wait_indirect_dma semaphore(%arg12 : memref<!tpu.dma_semaphore, #tpu.memory_space<semaphore_mem>>) src(%dma_wait3A_133 : memref<10240x128xf32, #tpu.memory_space<hbm>>) dst(%arg10 : memref<125x128xf32, #tpu.memory_space<vmem>>)
      %add3A_134 = arith.constant 1 : i32
      %add3A_135 = arith.addi %add3A_96, %add3A_134 : i32
      "tpu.region"() ({
        %run_scoped3A = tpu.sem_alloc : memref<!tpu.dma_semaphore, #tpu.memory_space<semaphore_mem>>
        %dma_start3A_136 = arith.constant 0 : i32
        %dma_start3A_137 = tpu.memref_slice %arg8[%add3A_135, %dma_start3A_136] : memref<40x125xi32, #tpu.memory_space<vmem>> -> memref<1x125xi32, #tpu.memory_space<vmem>>
        %dma_start3A_138 = tpu.memref_squeeze %dma_start3A_137 : memref<1x125xi32, #tpu.memory_space<vmem>> -> memref<125xi32, #tpu.memory_space<vmem>>
        %dma_start3A_139 = arith.constant 0 : i32
        %dma_start3A_140 = arith.constant 0 : i32
        %dma_start3A_141 = tpu.memref_slice %arg13[%dma_start3A_139, %dma_start3A_140] : memref<10240x128xf32, #tpu.memory_space<vmem_shared>> -> memref<10240x128xf32, #tpu.memory_space<vmem_shared>>
        tpu.enqueue_indirect_dma source(%arg10 : memref<125x128xf32, #tpu.memory_space<vmem>>) target(%dma_start3A_141 : memref<10240x128xf32, #tpu.memory_space<vmem_shared>>) offsets(%dma_start3A_138 : memref<125xi32, #tpu.memory_space<vmem>>) semaphore(%run_scoped3A : memref<!tpu.dma_semaphore, #tpu.memory_space<semaphore_mem>>) {add = true}
        %dma_wait3A_142 = arith.constant 0 : i32
        %dma_wait3A_143 = tpu.memref_slice %arg8[%add3A_135, %dma_wait3A_142] : memref<40x125xi32, #tpu.memory_space<vmem>> -> memref<1x125xi32, #tpu.memory_space<vmem>>
        %dma_wait3A_144 = tpu.memref_squeeze %dma_wait3A_143 : memref<1x125xi32, #tpu.memory_space<vmem>> -> memref<125xi32, #tpu.memory_space<vmem>>
        %dma_wait3A_145 = arith.constant 0 : i32
        %dma_wait3A_146 = arith.constant 0 : i32
        %dma_wait3A_147 = tpu.memref_slice %arg13[%dma_wait3A_145, %dma_wait3A_146] : memref<10240x128xf32, #tpu.memory_space<vmem_shared>> -> memref<10240x128xf32, #tpu.memory_space<vmem_shared>>
        tpu.wait_indirect_dma semaphore(%run_scoped3A : memref<!tpu.dma_semaphore, #tpu.memory_space<semaphore_mem>>) src(%arg10 : memref<125x128xf32, #tpu.memory_space<vmem>>) dst(%dma_wait3A_147 : memref<10240x128xf32, #tpu.memory_space<vmem_shared>>)
        tpu.yield
      }) : () -> ()
    }
    %scan3A_48 = arith.constant 20 : i32
    %barrier3A_49 = arith.constant 0 : index
    tpu.barrier barrier_id(%barrier3A_49)
    %mul3A_50 = arith.constant 640 : i32
    %mul3A_51 = arith.muli %arg1, %mul3A_50 : i32
    %mul3A_52 = arith.constant 10240 : i32
    %mul3A_53 = arith.muli %arg0, %mul3A_52 : i32
    %mul3A_54 = arith.constant 640 : i32
    %mul3A_55 = arith.muli %arg1, %mul3A_54 : i32
    %add3A_56 = arith.addi %mul3A_53, %mul3A_55 : i32
    "tpu.region"() ({
      %run_scoped3A = tpu.sem_alloc : memref<!tpu.dma_semaphore, #tpu.memory_space<semaphore_mem>>
      %dma_start3A_92 = arith.constant 0 : i32
      %dma_start3A_93 = tpu.memref_slice %arg6[%add3A_56, %dma_start3A_92] : memref<40960x128xf32, #tpu.memory_space<hbm>> -> memref<640x128xf32, #tpu.memory_space<hbm>>
      %dma_start3A_94 = arith.constant 0 : i32
      %dma_start3A_95 = tpu.memref_slice %arg13[%mul3A_51, %dma_start3A_94] : memref<10240x128xf32, #tpu.memory_space<vmem_shared>> -> memref<640x128xf32, #tpu.memory_space<vmem_shared>>
      tpu.enqueue_dma source(%dma_start3A_95 : memref<640x128xf32, #tpu.memory_space<vmem_shared>>) target(%dma_start3A_93 : memref<640x128xf32, #tpu.memory_space<hbm>>) target_semaphore(%run_scoped3A : memref<!tpu.dma_semaphore, #tpu.memory_space<semaphore_mem>>)
      %dma_wait3A = arith.constant 0 : i32
      %dma_wait3A_96 = tpu.memref_slice %arg6[%add3A_56, %dma_wait3A] : memref<40960x128xf32, #tpu.memory_space<hbm>> -> memref<640x128xf32, #tpu.memory_space<hbm>>
      %dma_wait3A_97 = arith.constant 0 : i32
      %dma_wait3A_98 = tpu.memref_slice %arg13[%mul3A_51, %dma_wait3A_97] : memref<10240x128xf32, #tpu.memory_space<vmem_shared>> -> memref<640x128xf32, #tpu.memory_space<vmem_shared>>
      tpu.wait_dma2 semaphore(%run_scoped3A : memref<!tpu.dma_semaphore, #tpu.memory_space<semaphore_mem>>) src(%dma_wait3A_98 : memref<640x128xf32, #tpu.memory_space<vmem_shared>>) dst(%dma_wait3A_96 : memref<640x128xf32, #tpu.memory_space<hbm>>)
      tpu.yield
    }) : () -> ()
    %mul3A_57 = arith.constant 640 : i32
    %mul3A_58 = arith.muli %arg1, %mul3A_57 : i32
    "tpu.region"() ({
      %run_scoped3A = tpu.sem_alloc : memref<!tpu.dma_semaphore, #tpu.memory_space<semaphore_mem>>
      %dma_start3A_92 = arith.constant 0 : i32
      %dma_start3A_93 = tpu.memref_slice %arg13[%mul3A_58, %dma_start3A_92] : memref<10240x128xf32, #tpu.memory_space<vmem_shared>> -> memref<640x128xf32, #tpu.memory_space<vmem_shared>>
      tpu.enqueue_dma source(%arg5 : memref<640x128xf32, #tpu.memory_space<hbm>>) target(%dma_start3A_93 : memref<640x128xf32, #tpu.memory_space<vmem_shared>>) target_semaphore(%run_scoped3A : memref<!tpu.dma_semaphore, #tpu.memory_space<semaphore_mem>>)
      %dma_wait3A = arith.constant 0 : i32
      %dma_wait3A_94 = tpu.memref_slice %arg13[%mul3A_58, %dma_wait3A] : memref<10240x128xf32, #tpu.memory_space<vmem_shared>> -> memref<640x128xf32, #tpu.memory_space<vmem_shared>>
      tpu.wait_dma2 semaphore(%run_scoped3A : memref<!tpu.dma_semaphore, #tpu.memory_space<semaphore_mem>>) src(%arg5 : memref<640x128xf32, #tpu.memory_space<hbm>>) dst(%dma_wait3A_94 : memref<640x128xf32, #tpu.memory_space<vmem_shared>>)
      tpu.yield
    }) : () -> ()
    %mul3A_59 = arith.constant 40 : i32
    %mul3A_60 = arith.muli %add3A, %mul3A_59 : i32
    "tpu.region"() ({
      %run_scoped3A = tpu.sem_alloc : memref<!tpu.dma_semaphore, #tpu.memory_space<semaphore_mem>>
      %dma_start3A_92 = arith.constant 0 : i32
      %dma_start3A_93 = tpu.memref_slice %arg2[%mul3A_60, %dma_start3A_92] : memref<1280x125xi32, #tpu.memory_space<hbm>> -> memref<40x125xi32, #tpu.memory_space<hbm>>
      %dma_start3A_94 = arith.constant 0 : i32
      %dma_start3A_95 = tpu.memref_slice %arg2[%mul3A_60, %dma_start3A_94] : memref<1280x125xi32, #tpu.memory_space<hbm>> -> memref<40x125xi32, #tpu.memory_space<hbm>>
      tpu.enqueue_dma source(%dma_start3A_95 : memref<40x125xi32, #tpu.memory_space<hbm>>) target(%arg7 : memref<40x125xi32, #tpu.memory_space<vmem>>) target_semaphore(%run_scoped3A : memref<!tpu.dma_semaphore, #tpu.memory_space<semaphore_mem>>)
      %dma_wait3A = arith.constant 0 : i32
      %dma_wait3A_96 = tpu.memref_slice %arg2[%mul3A_60, %dma_wait3A] : memref<1280x125xi32, #tpu.memory_space<hbm>> -> memref<40x125xi32, #tpu.memory_space<hbm>>
      %dma_wait3A_97 = arith.constant 0 : i32
      %dma_wait3A_98 = tpu.memref_slice %arg2[%mul3A_60, %dma_wait3A_97] : memref<1280x125xi32, #tpu.memory_space<hbm>> -> memref<40x125xi32, #tpu.memory_space<hbm>>
      tpu.wait_dma2 semaphore(%run_scoped3A : memref<!tpu.dma_semaphore, #tpu.memory_space<semaphore_mem>>) src(%dma_wait3A_98 : memref<40x125xi32, #tpu.memory_space<hbm>>) dst(%arg7 : memref<40x125xi32, #tpu.memory_space<vmem>>)
      tpu.yield
    }) : () -> ()
    %mul3A_61 = arith.constant 40 : i32
    %mul3A_62 = arith.muli %add3A, %mul3A_61 : i32
    "tpu.region"() ({
      %run_scoped3A = tpu.sem_alloc : memref<!tpu.dma_semaphore, #tpu.memory_space<semaphore_mem>>
      %dma_start3A_92 = arith.constant 0 : i32
      %dma_start3A_93 = tpu.memref_slice %arg3[%mul3A_62, %dma_start3A_92] : memref<1280x125xi32, #tpu.memory_space<hbm>> -> memref<40x125xi32, #tpu.memory_space<hbm>>
      %dma_start3A_94 = arith.constant 0 : i32
      %dma_start3A_95 = tpu.memref_slice %arg3[%mul3A_62, %dma_start3A_94] : memref<1280x125xi32, #tpu.memory_space<hbm>> -> memref<40x125xi32, #tpu.memory_space<hbm>>
      tpu.enqueue_dma source(%dma_start3A_95 : memref<40x125xi32, #tpu.memory_space<hbm>>) target(%arg8 : memref<40x125xi32, #tpu.memory_space<vmem>>) target_semaphore(%run_scoped3A : memref<!tpu.dma_semaphore, #tpu.memory_space<semaphore_mem>>)
      %dma_wait3A = arith.constant 0 : i32
      %dma_wait3A_96 = tpu.memref_slice %arg3[%mul3A_62, %dma_wait3A] : memref<1280x125xi32, #tpu.memory_space<hbm>> -> memref<40x125xi32, #tpu.memory_space<hbm>>
      %dma_wait3A_97 = arith.constant 0 : i32
      %dma_wait3A_98 = tpu.memref_slice %arg3[%mul3A_62, %dma_wait3A_97] : memref<1280x125xi32, #tpu.memory_space<hbm>> -> memref<40x125xi32, #tpu.memory_space<hbm>>
      tpu.wait_dma2 semaphore(%run_scoped3A : memref<!tpu.dma_semaphore, #tpu.memory_space<semaphore_mem>>) src(%dma_wait3A_98 : memref<40x125xi32, #tpu.memory_space<hbm>>) dst(%arg8 : memref<40x125xi32, #tpu.memory_space<vmem>>)
      tpu.yield
    }) : () -> ()
    %barrier3A_63 = arith.constant 0 : index
    tpu.barrier barrier_id(%barrier3A_63)
    %dma_start3A_64 = arith.constant 2 : i32
    %dma_start3A_65 = arith.constant 0 : i32
    %dma_start3A_66 = arith.constant 0 : i32
    %dma_start3A_67 = tpu.memref_slice %arg7[%dma_start3A_65, %dma_start3A_66] : memref<40x125xi32, #tpu.memory_space<vmem>> -> memref<1x125xi32, #tpu.memory_space<vmem>>
    %dma_start3A_68 = tpu.memref_squeeze %dma_start3A_67 : memref<1x125xi32, #tpu.memory_space<vmem>> -> memref<125xi32, #tpu.memory_space<vmem>>
    %dma_start3A_69 = arith.constant 0 : i32
    %dma_start3A_70 = arith.constant 0 : i32
    %dma_start3A_71 = tpu.memref_slice %arg4[%dma_start3A_64, %dma_start3A_69, %dma_start3A_70] : memref<3x10240x128xf32, #tpu.memory_space<hbm>> -> memref<1x10240x128xf32, #tpu.memory_space<hbm>>
    %dma_start3A_72 = tpu.memref_squeeze %dma_start3A_71 : memref<1x10240x128xf32, #tpu.memory_space<hbm>> -> memref<10240x128xf32, #tpu.memory_space<hbm>>
    %dma_start3A_73 = arith.constant 0 : i32
    %dma_start3A_74 = arith.constant 0 : i32
    %dma_start3A_75 = tpu.memref_slice %dma_start3A_72[%dma_start3A_73, %dma_start3A_74] : memref<10240x128xf32, #tpu.memory_space<hbm>> -> memref<10240x128xf32, #tpu.memory_space<hbm>>
    tpu.enqueue_indirect_dma source(%dma_start3A_75 : memref<10240x128xf32, #tpu.memory_space<hbm>>) target(%arg9 : memref<125x128xf32, #tpu.memory_space<vmem>>) offsets(%dma_start3A_68 : memref<125xi32, #tpu.memory_space<vmem>>) semaphore(%arg11 : memref<!tpu.dma_semaphore, #tpu.memory_space<semaphore_mem>>)
    %scan3A_76 = arith.constant 2 : i32
    %scan3A_77 = arith.constant 0 : i32
    %scan3A_78 = arith.constant 20 : i32
    %scan3A_79 = arith.addi %scan3A_77, %scan3A_78 : i32
    %scan3A_80 = arith.constant 1 : i32
    scf.for %scan3A_92 = %scan3A_77 to %scan3A_79 step %scan3A_80  : i32 {
      %mul3A_93 = arith.constant 2 : i32
      %mul3A_94 = arith.muli %scan3A_92, %mul3A_93 : i32
      %add3A_95 = arith.constant 0 : i32
      %add3A_96 = arith.addi %add3A_95, %mul3A_94 : i32
      %add3A_97 = arith.constant 1 : i32
      %add3A_98 = arith.addi %add3A_96, %add3A_97 : i32
      %dma_start3A_99 = arith.constant 0 : i32
      %dma_start3A_100 = tpu.memref_slice %arg7[%add3A_98, %dma_start3A_99] : memref<40x125xi32, #tpu.memory_space<vmem>> -> memref<1x125xi32, #tpu.memory_space<vmem>>
      %dma_start3A_101 = tpu.memref_squeeze %dma_start3A_100 : memref<1x125xi32, #tpu.memory_space<vmem>> -> memref<125xi32, #tpu.memory_space<vmem>>
      %dma_start3A_102 = arith.constant 0 : i32
      %dma_start3A_103 = arith.constant 0 : i32
      %dma_start3A_104 = tpu.memref_slice %arg4[%scan3A_76, %dma_start3A_102, %dma_start3A_103] : memref<3x10240x128xf32, #tpu.memory_space<hbm>> -> memref<1x10240x128xf32, #tpu.memory_space<hbm>>
      %dma_start3A_105 = tpu.memref_squeeze %dma_start3A_104 : memref<1x10240x128xf32, #tpu.memory_space<hbm>> -> memref<10240x128xf32, #tpu.memory_space<hbm>>
      %dma_start3A_106 = arith.constant 0 : i32
      %dma_start3A_107 = arith.constant 0 : i32
      %dma_start3A_108 = tpu.memref_slice %dma_start3A_105[%dma_start3A_106, %dma_start3A_107] : memref<10240x128xf32, #tpu.memory_space<hbm>> -> memref<10240x128xf32, #tpu.memory_space<hbm>>
      tpu.enqueue_indirect_dma source(%dma_start3A_108 : memref<10240x128xf32, #tpu.memory_space<hbm>>) target(%arg10 : memref<125x128xf32, #tpu.memory_space<vmem>>) offsets(%dma_start3A_101 : memref<125xi32, #tpu.memory_space<vmem>>) semaphore(%arg12 : memref<!tpu.dma_semaphore, #tpu.memory_space<semaphore_mem>>)
      %dma_wait3A = arith.constant 0 : i32
      %dma_wait3A_109 = tpu.memref_slice %arg7[%add3A_96, %dma_wait3A] : memref<40x125xi32, #tpu.memory_space<vmem>> -> memref<1x125xi32, #tpu.memory_space<vmem>>
      %dma_wait3A_110 = tpu.memref_squeeze %dma_wait3A_109 : memref<1x125xi32, #tpu.memory_space<vmem>> -> memref<125xi32, #tpu.memory_space<vmem>>
      %dma_wait3A_111 = arith.constant 0 : i32
      %dma_wait3A_112 = arith.constant 0 : i32
      %dma_wait3A_113 = tpu.memref_slice %arg4[%scan3A_76, %dma_wait3A_111, %dma_wait3A_112] : memref<3x10240x128xf32, #tpu.memory_space<hbm>> -> memref<1x10240x128xf32, #tpu.memory_space<hbm>>
      %dma_wait3A_114 = tpu.memref_squeeze %dma_wait3A_113 : memref<1x10240x128xf32, #tpu.memory_space<hbm>> -> memref<10240x128xf32, #tpu.memory_space<hbm>>
      %dma_wait3A_115 = arith.constant 0 : i32
      %dma_wait3A_116 = arith.constant 0 : i32
      %dma_wait3A_117 = tpu.memref_slice %dma_wait3A_114[%dma_wait3A_115, %dma_wait3A_116] : memref<10240x128xf32, #tpu.memory_space<hbm>> -> memref<10240x128xf32, #tpu.memory_space<hbm>>
      tpu.wait_indirect_dma semaphore(%arg11 : memref<!tpu.dma_semaphore, #tpu.memory_space<semaphore_mem>>) src(%dma_wait3A_117 : memref<10240x128xf32, #tpu.memory_space<hbm>>) dst(%arg9 : memref<125x128xf32, #tpu.memory_space<vmem>>)
      "tpu.region"() ({
        %run_scoped3A = tpu.sem_alloc : memref<!tpu.dma_semaphore, #tpu.memory_space<semaphore_mem>>
        %dma_start3A_136 = arith.constant 0 : i32
        %dma_start3A_137 = tpu.memref_slice %arg8[%add3A_96, %dma_start3A_136] : memref<40x125xi32, #tpu.memory_space<vmem>> -> memref<1x125xi32, #tpu.memory_space<vmem>>
        %dma_start3A_138 = tpu.memref_squeeze %dma_start3A_137 : memref<1x125xi32, #tpu.memory_space<vmem>> -> memref<125xi32, #tpu.memory_space<vmem>>
        %dma_start3A_139 = arith.constant 0 : i32
        %dma_start3A_140 = arith.constant 0 : i32
        %dma_start3A_141 = tpu.memref_slice %arg13[%dma_start3A_139, %dma_start3A_140] : memref<10240x128xf32, #tpu.memory_space<vmem_shared>> -> memref<10240x128xf32, #tpu.memory_space<vmem_shared>>
        tpu.enqueue_indirect_dma source(%arg9 : memref<125x128xf32, #tpu.memory_space<vmem>>) target(%dma_start3A_141 : memref<10240x128xf32, #tpu.memory_space<vmem_shared>>) offsets(%dma_start3A_138 : memref<125xi32, #tpu.memory_space<vmem>>) semaphore(%run_scoped3A : memref<!tpu.dma_semaphore, #tpu.memory_space<semaphore_mem>>) {add = true}
        %dma_wait3A_142 = arith.constant 0 : i32
        %dma_wait3A_143 = tpu.memref_slice %arg8[%add3A_96, %dma_wait3A_142] : memref<40x125xi32, #tpu.memory_space<vmem>> -> memref<1x125xi32, #tpu.memory_space<vmem>>
        %dma_wait3A_144 = tpu.memref_squeeze %dma_wait3A_143 : memref<1x125xi32, #tpu.memory_space<vmem>> -> memref<125xi32, #tpu.memory_space<vmem>>
        %dma_wait3A_145 = arith.constant 0 : i32
        %dma_wait3A_146 = arith.constant 0 : i32
        %dma_wait3A_147 = tpu.memref_slice %arg13[%dma_wait3A_145, %dma_wait3A_146] : memref<10240x128xf32, #tpu.memory_space<vmem_shared>> -> memref<10240x128xf32, #tpu.memory_space<vmem_shared>>
        tpu.wait_indirect_dma semaphore(%run_scoped3A : memref<!tpu.dma_semaphore, #tpu.memory_space<semaphore_mem>>) src(%arg9 : memref<125x128xf32, #tpu.memory_space<vmem>>) dst(%dma_wait3A_147 : memref<10240x128xf32, #tpu.memory_space<vmem_shared>>)
        tpu.yield
      }) : () -> ()
      %add3A_118 = arith.constant 2 : i32
      %add3A_119 = arith.addi %add3A_96, %add3A_118 : i32
      %lt3A = arith.constant 40 : i32
      %lt3A_120 = arith.cmpi slt, %add3A_119, %lt3A : i32
      %convert_element_type3A = arith.extui %lt3A_120 : i1 to i32
      %cond3A = arith.constant 0 : i32
      %cond3A_121 = arith.cmpi ne, %convert_element_type3A, %cond3A : i32
      scf.if %cond3A_121 {
        %add3A_136 = arith.constant 2 : i32
        %add3A_137 = arith.addi %add3A_96, %add3A_136 : i32
        %dma_start3A_138 = arith.constant 0 : i32
        %dma_start3A_139 = tpu.memref_slice %arg7[%add3A_137, %dma_start3A_138] : memref<40x125xi32, #tpu.memory_space<vmem>> -> memref<1x125xi32, #tpu.memory_space<vmem>>
        %dma_start3A_140 = tpu.memref_squeeze %dma_start3A_139 : memref<1x125xi32, #tpu.memory_space<vmem>> -> memref<125xi32, #tpu.memory_space<vmem>>
        %dma_start3A_141 = arith.constant 0 : i32
        %dma_start3A_142 = arith.constant 0 : i32
        %dma_start3A_143 = tpu.memref_slice %arg4[%scan3A_76, %dma_start3A_141, %dma_start3A_142] : memref<3x10240x128xf32, #tpu.memory_space<hbm>> -> memref<1x10240x128xf32, #tpu.memory_space<hbm>>
        %dma_start3A_144 = tpu.memref_squeeze %dma_start3A_143 : memref<1x10240x128xf32, #tpu.memory_space<hbm>> -> memref<10240x128xf32, #tpu.memory_space<hbm>>
        %dma_start3A_145 = arith.constant 0 : i32
        %dma_start3A_146 = arith.constant 0 : i32
        %dma_start3A_147 = tpu.memref_slice %dma_start3A_144[%dma_start3A_145, %dma_start3A_146] : memref<10240x128xf32, #tpu.memory_space<hbm>> -> memref<10240x128xf32, #tpu.memory_space<hbm>>
        tpu.enqueue_indirect_dma source(%dma_start3A_147 : memref<10240x128xf32, #tpu.memory_space<hbm>>) target(%arg9 : memref<125x128xf32, #tpu.memory_space<vmem>>) offsets(%dma_start3A_140 : memref<125xi32, #tpu.memory_space<vmem>>) semaphore(%arg11 : memref<!tpu.dma_semaphore, #tpu.memory_space<semaphore_mem>>)
      } else {
      }
      %add3A_122 = arith.constant 1 : i32
      %add3A_123 = arith.addi %add3A_96, %add3A_122 : i32
      %dma_wait3A_124 = arith.constant 0 : i32
      %dma_wait3A_125 = tpu.memref_slice %arg7[%add3A_123, %dma_wait3A_124] : memref<40x125xi32, #tpu.memory_space<vmem>> -> memref<1x125xi32, #tpu.memory_space<vmem>>
      %dma_wait3A_126 = tpu.memref_squeeze %dma_wait3A_125 : memref<1x125xi32, #tpu.memory_space<vmem>> -> memref<125xi32, #tpu.memory_space<vmem>>
      %dma_wait3A_127 = arith.constant 0 : i32
      %dma_wait3A_128 = arith.constant 0 : i32
      %dma_wait3A_129 = tpu.memref_slice %arg4[%scan3A_76, %dma_wait3A_127, %dma_wait3A_128] : memref<3x10240x128xf32, #tpu.memory_space<hbm>> -> memref<1x10240x128xf32, #tpu.memory_space<hbm>>
      %dma_wait3A_130 = tpu.memref_squeeze %dma_wait3A_129 : memref<1x10240x128xf32, #tpu.memory_space<hbm>> -> memref<10240x128xf32, #tpu.memory_space<hbm>>
      %dma_wait3A_131 = arith.constant 0 : i32
      %dma_wait3A_132 = arith.constant 0 : i32
      %dma_wait3A_133 = tpu.memref_slice %dma_wait3A_130[%dma_wait3A_131, %dma_wait3A_132] : memref<10240x128xf32, #tpu.memory_space<hbm>> -> memref<10240x128xf32, #tpu.memory_space<hbm>>
      tpu.wait_indirect_dma semaphore(%arg12 : memref<!tpu.dma_semaphore, #tpu.memory_space<semaphore_mem>>) src(%dma_wait3A_133 : memref<10240x128xf32, #tpu.memory_space<hbm>>) dst(%arg10 : memref<125x128xf32, #tpu.memory_space<vmem>>)
      %add3A_134 = arith.constant 1 : i32
      %add3A_135 = arith.addi %add3A_96, %add3A_134 : i32
      "tpu.region"() ({
        %run_scoped3A = tpu.sem_alloc : memref<!tpu.dma_semaphore, #tpu.memory_space<semaphore_mem>>
        %dma_start3A_136 = arith.constant 0 : i32
        %dma_start3A_137 = tpu.memref_slice %arg8[%add3A_135, %dma_start3A_136] : memref<40x125xi32, #tpu.memory_space<vmem>> -> memref<1x125xi32, #tpu.memory_space<vmem>>
        %dma_start3A_138 = tpu.memref_squeeze %dma_start3A_137 : memref<1x125xi32, #tpu.memory_space<vmem>> -> memref<125xi32, #tpu.memory_space<vmem>>
        %dma_start3A_139 = arith.constant 0 : i32
        %dma_start3A_140 = arith.constant 0 : i32
        %dma_start3A_141 = tpu.memref_slice %arg13[%dma_start3A_139, %dma_start3A_140] : memref<10240x128xf32, #tpu.memory_space<vmem_shared>> -> memref<10240x128xf32, #tpu.memory_space<vmem_shared>>
        tpu.enqueue_indirect_dma source(%arg10 : memref<125x128xf32, #tpu.memory_space<vmem>>) target(%dma_start3A_141 : memref<10240x128xf32, #tpu.memory_space<vmem_shared>>) offsets(%dma_start3A_138 : memref<125xi32, #tpu.memory_space<vmem>>) semaphore(%run_scoped3A : memref<!tpu.dma_semaphore, #tpu.memory_space<semaphore_mem>>) {add = true}
        %dma_wait3A_142 = arith.constant 0 : i32
        %dma_wait3A_143 = tpu.memref_slice %arg8[%add3A_135, %dma_wait3A_142] : memref<40x125xi32, #tpu.memory_space<vmem>> -> memref<1x125xi32, #tpu.memory_space<vmem>>
        %dma_wait3A_144 = tpu.memref_squeeze %dma_wait3A_143 : memref<1x125xi32, #tpu.memory_space<vmem>> -> memref<125xi32, #tpu.memory_space<vmem>>
        %dma_wait3A_145 = arith.constant 0 : i32
        %dma_wait3A_146 = arith.constant 0 : i32
        %dma_wait3A_147 = tpu.memref_slice %arg13[%dma_wait3A_145, %dma_wait3A_146] : memref<10240x128xf32, #tpu.memory_space<vmem_shared>> -> memref<10240x128xf32, #tpu.memory_space<vmem_shared>>
        tpu.wait_indirect_dma semaphore(%run_scoped3A : memref<!tpu.dma_semaphore, #tpu.memory_space<semaphore_mem>>) src(%arg10 : memref<125x128xf32, #tpu.memory_space<vmem>>) dst(%dma_wait3A_147 : memref<10240x128xf32, #tpu.memory_space<vmem_shared>>)
        tpu.yield
      }) : () -> ()
    }
    %scan3A_81 = arith.constant 20 : i32
    %barrier3A_82 = arith.constant 0 : index
    tpu.barrier barrier_id(%barrier3A_82)
    %mul3A_83 = arith.constant 640 : i32
    %mul3A_84 = arith.muli %arg1, %mul3A_83 : i32
    %add3A_85 = arith.constant 2 : i32
    %add3A_86 = arith.addi %add3A_85, %arg0 : i32
    %mul3A_87 = arith.constant 10240 : i32
    %mul3A_88 = arith.muli %add3A_86, %mul3A_87 : i32
    %mul3A_89 = arith.constant 640 : i32
    %mul3A_90 = arith.muli %arg1, %mul3A_89 : i32
    %add3A_91 = arith.addi %mul3A_88, %mul3A_90 : i32
    "tpu.region"() ({
      %run_scoped3A = tpu.sem_alloc : memref<!tpu.dma_semaphore, #tpu.memory_space<semaphore_mem>>
      %dma_start3A_92 = arith.constant 0 : i32
      %dma_start3A_93 = tpu.memref_slice %arg6[%add3A_91, %dma_start3A_92] : memref<40960x128xf32, #tpu.memory_space<hbm>> -> memref<640x128xf32, #tpu.memory_space<hbm>>
      %dma_start3A_94 = arith.constant 0 : i32
      %dma_start3A_95 = tpu.memref_slice %arg13[%mul3A_84, %dma_start3A_94] : memref<10240x128xf32, #tpu.memory_space<vmem_shared>> -> memref<640x128xf32, #tpu.memory_space<vmem_shared>>
      tpu.enqueue_dma source(%dma_start3A_95 : memref<640x128xf32, #tpu.memory_space<vmem_shared>>) target(%dma_start3A_93 : memref<640x128xf32, #tpu.memory_space<hbm>>) target_semaphore(%run_scoped3A : memref<!tpu.dma_semaphore, #tpu.memory_space<semaphore_mem>>)
      %dma_wait3A = arith.constant 0 : i32
      %dma_wait3A_96 = tpu.memref_slice %arg6[%add3A_91, %dma_wait3A] : memref<40960x128xf32, #tpu.memory_space<hbm>> -> memref<640x128xf32, #tpu.memory_space<hbm>>
      %dma_wait3A_97 = arith.constant 0 : i32
      %dma_wait3A_98 = tpu.memref_slice %arg13[%mul3A_84, %dma_wait3A_97] : memref<10240x128xf32, #tpu.memory_space<vmem_shared>> -> memref<640x128xf32, #tpu.memory_space<vmem_shared>>
      tpu.wait_dma2 semaphore(%run_scoped3A : memref<!tpu.dma_semaphore, #tpu.memory_space<semaphore_mem>>) src(%dma_wait3A_98 : memref<640x128xf32, #tpu.memory_space<vmem_shared>>) dst(%dma_wait3A_96 : memref<640x128xf32, #tpu.memory_space<hbm>>)
      tpu.yield
    }) : () -> ()
    return
  }
}

#map = affine_map<(d0, d1) -> (0, 0)>
#map1 = affine_map<(d0, d1) -> (0)>
module attributes {stable_mosaic.version = 14 : i64} {
  func.func @_deg_body(%arg0: i32, %arg1: i32, %arg2: memref<10240x16xi32, #tpu.memory_space<hbm>>, %arg3: memref<10240xf32, #tpu.memory_space<hbm>>, %arg4: memref<327680xf32, #tpu.memory_space<hbm>>, %arg5: memref<320x16xi32, #tpu.memory_space<vmem>>, %arg6: memref<10240xf32, #tpu.memory_space<vmem>>) attributes {dimension_semantics = [#tpu.dimension_semantics<core_parallel>, #tpu.dimension_semantics<subcore_parallel>], iteration_bounds = array<i64: 2, 16>, scalar_prefetch = 0 : i64, scratch_operands = 2 : i64, tpu.core_type = #tpu.core_type<sc_vector_subcore>, window_params = [{transform_indices = #map}, {transform_indices = #map1}, {transform_indices = #map1}]} {
    %mul3A = arith.constant 16 : i32
    %mul3A_0 = arith.muli %arg0, %mul3A : i32
    %add3A = arith.addi %mul3A_0, %arg1 : i32
    "tpu.region"() ({
      %run_scoped3A = tpu.sem_alloc : memref<!tpu.dma_semaphore, #tpu.memory_space<semaphore_mem>>
      tpu.enqueue_dma source(%arg3 : memref<10240xf32, #tpu.memory_space<hbm>>) target(%arg6 : memref<10240xf32, #tpu.memory_space<vmem>>) target_semaphore(%run_scoped3A : memref<!tpu.dma_semaphore, #tpu.memory_space<semaphore_mem>>)
      tpu.wait_dma2 semaphore(%run_scoped3A : memref<!tpu.dma_semaphore, #tpu.memory_space<semaphore_mem>>) src(%arg3 : memref<10240xf32, #tpu.memory_space<hbm>>) dst(%arg6 : memref<10240xf32, #tpu.memory_space<vmem>>)
      tpu.yield
    }) : () -> ()
    %mul3A_1 = arith.constant 320 : i32
    %mul3A_2 = arith.muli %add3A, %mul3A_1 : i32
    "tpu.region"() ({
      %run_scoped3A = tpu.sem_alloc : memref<!tpu.dma_semaphore, #tpu.memory_space<semaphore_mem>>
      %dma_start3A = arith.constant 0 : i32
      %dma_start3A_11 = tpu.memref_slice %arg2[%mul3A_2, %dma_start3A] : memref<10240x16xi32, #tpu.memory_space<hbm>> -> memref<320x16xi32, #tpu.memory_space<hbm>>
      %dma_start3A_12 = arith.constant 0 : i32
      %dma_start3A_13 = tpu.memref_slice %arg2[%mul3A_2, %dma_start3A_12] : memref<10240x16xi32, #tpu.memory_space<hbm>> -> memref<320x16xi32, #tpu.memory_space<hbm>>
      tpu.enqueue_dma source(%dma_start3A_13 : memref<320x16xi32, #tpu.memory_space<hbm>>) target(%arg5 : memref<320x16xi32, #tpu.memory_space<vmem>>) target_semaphore(%run_scoped3A : memref<!tpu.dma_semaphore, #tpu.memory_space<semaphore_mem>>)
      %dma_wait3A = arith.constant 0 : i32
      %dma_wait3A_14 = tpu.memref_slice %arg2[%mul3A_2, %dma_wait3A] : memref<10240x16xi32, #tpu.memory_space<hbm>> -> memref<320x16xi32, #tpu.memory_space<hbm>>
      %dma_wait3A_15 = arith.constant 0 : i32
      %dma_wait3A_16 = tpu.memref_slice %arg2[%mul3A_2, %dma_wait3A_15] : memref<10240x16xi32, #tpu.memory_space<hbm>> -> memref<320x16xi32, #tpu.memory_space<hbm>>
      tpu.wait_dma2 semaphore(%run_scoped3A : memref<!tpu.dma_semaphore, #tpu.memory_space<semaphore_mem>>) src(%dma_wait3A_16 : memref<320x16xi32, #tpu.memory_space<hbm>>) dst(%arg5 : memref<320x16xi32, #tpu.memory_space<vmem>>)
      tpu.yield
    }) : () -> ()
    %broadcast_in_dim3A = arith.constant 1.000000e+00 : f32
    %broadcast_in_dim3A_3 = vector.broadcast %broadcast_in_dim3A : f32 to vector<16xf32>
    %scan3A = arith.constant 0 : i32
    %scan3A_4 = arith.constant 0 : i32
    %scan3A_5 = arith.constant 320 : i32
    %scan3A_6 = arith.addi %scan3A_4, %scan3A_5 : i32
    %scan3A_7 = arith.constant 1 : i32
    scf.for %scan3A_11 = %scan3A_4 to %scan3A_6 step %scan3A_7  : i32 {
      %get3A = arith.index_cast %scan3A_11 : i32 to index
      %get3A_12 = arith.constant 0 : index
      %get3A_13 = tpu.vector_load %arg5[%get3A, %get3A_12] {strides = array<i32>} : memref<320x16xi32, #tpu.memory_space<vmem>>, vector<16xi32>,
      tpu.vector_store_idx %arg6[%get3A_13], %broadcast_in_dim3A_3 {add = true} : memref<10240xf32, #tpu.memory_space<vmem>>[vector<16xi32>], vector<16xf32>,
    }
    %scan3A_8 = arith.constant 320 : i32
    %mul3A_9 = arith.constant 10240 : i32
    %mul3A_10 = arith.muli %add3A, %mul3A_9 : i32
    "tpu.region"() ({
      %run_scoped3A = tpu.sem_alloc : memref<!tpu.dma_semaphore, #tpu.memory_space<semaphore_mem>>
      %dma_start3A = tpu.memref_slice %arg4[%mul3A_10] : memref<327680xf32, #tpu.memory_space<hbm>> -> memref<10240xf32, #tpu.memory_space<hbm>>
      %dma_start3A_11 = tpu.memref_slice %arg4[%mul3A_10] : memref<327680xf32, #tpu.memory_space<hbm>> -> memref<10240xf32, #tpu.memory_space<hbm>>
      tpu.enqueue_dma source(%arg6 : memref<10240xf32, #tpu.memory_space<vmem>>) target(%dma_start3A_11 : memref<10240xf32, #tpu.memory_space<hbm>>) target_semaphore(%run_scoped3A : memref<!tpu.dma_semaphore, #tpu.memory_space<semaphore_mem>>)
      %dma_wait3A = tpu.memref_slice %arg4[%mul3A_10] : memref<327680xf32, #tpu.memory_space<hbm>> -> memref<10240xf32, #tpu.memory_space<hbm>>
      %dma_wait3A_12 = tpu.memref_slice %arg4[%mul3A_10] : memref<327680xf32, #tpu.memory_space<hbm>> -> memref<10240xf32, #tpu.memory_space<hbm>>
      tpu.wait_dma2 semaphore(%run_scoped3A : memref<!tpu.dma_semaphore, #tpu.memory_space<semaphore_mem>>) src(%arg6 : memref<10240xf32, #tpu.memory_space<vmem>>) dst(%dma_wait3A_12 : memref<10240xf32, #tpu.memory_space<hbm>>)
      tpu.yield
    }) : () -> ()
    return
  }
}

module attributes {stable_mosaic.version = 14 : i64} {
  func.func @_mm_body(%arg0: i32, %arg1: memref<2048x300xf32, #tpu.memory_space<vmem>>, %arg2: memref<300x300xf32, #tpu.memory_space<vmem>>, %arg3: memref<32x2048xf32, #tpu.memory_space<vmem>>, %arg4: memref<3x2048x128xf32, #tpu.memory_space<vmem>>, %arg5: memref<2048x16xf32, #tpu.memory_space<vmem>>) attributes {dimension_semantics = [#tpu.dimension_semantics<arbitrary>], iteration_bounds = array<i64: 5>, scalar_prefetch = 0 : i64, scratch_operands = 0 : i64, tpu.core_type = #tpu.core_type<tc>, window_params = [{transform_indices = @transform_0, window_bounds = array<i64: 2048, 300>}, {pipeline_mode = #tpu.pipeline_mode<synchronous>, transform_indices = @transform_1, window_bounds = array<i64: 300, 300>}, {transform_indices = @transform_2, window_bounds = array<i64: 32, 2048>}, {transform_indices = @transform_3, window_bounds = array<i64: 3, 2048, 128>}, {transform_indices = @transform_4, window_bounds = array<i64: 2048, 16>}]} {
    %broadcast_in_dim3A = arith.constant 1.000000e+00 : f32
    %broadcast_in_dim3A_0 = vector.broadcast %broadcast_in_dim3A : f32 to vector<32x1xf32>
    %get3A = arith.constant 0 : index
    %get3A_1 = arith.constant 0 : index
    %get3A_2 = vector.load %arg3[%get3A, %get3A_1] : memref<32x2048xf32, #tpu.memory_space<vmem>>, vector<32x2048xf32>
    %dot_general3A = arith.constant dense<0.000000e+00> : vector<2048x1xf32>
    %dot_general3A_3 = tpu.matmul %get3A_2, %broadcast_in_dim3A_0, %dot_general3A {dimension_numbers = #tpu.dot_dimension_numbers<[0], [0], [1], [1], [0, 1, 1, 1], [], []>, transpose_lhs_hint = false} : vector<32x2048xf32>, vector<32x1xf32>, vector<2048x1xf32> -> vector<2048x1xf32>
    %add3A = arith.constant 1.000000e+00 : f32
    %add3A_4 = vector.broadcast %add3A : f32 to vector<2048x1xf32>
    %add3A_5 = arith.addf %dot_general3A_3, %add3A_4 : vector<2048x1xf32>
    %rsqrt3A = math.rsqrt %add3A_5 : vector<2048x1xf32>
    %get3A_6 = arith.constant 0 : index
    %get3A_7 = arith.constant 0 : index
    %get3A_8 = vector.load %arg1[%get3A_6, %get3A_7] : memref<2048x300xf32, #tpu.memory_space<vmem>>, vector<2048x300xf32>
    %get3A_9 = arith.constant 0 : index
    %get3A_10 = arith.constant 0 : index
    %get3A_11 = vector.load %arg2[%get3A_9, %get3A_10] : memref<300x300xf32, #tpu.memory_space<vmem>>, vector<300x300xf32>
    %dot_general3A_12 = arith.constant dense<0.000000e+00> : vector<2048x300xf32>
    %dot_general3A_13 = tpu.matmul %get3A_8, %get3A_11, %dot_general3A_12 {dimension_numbers = #tpu.dot_dimension_numbers<[1], [1], [0], [0], [0, 0, 1, 0], [], []>, transpose_lhs_hint = false} : vector<2048x300xf32>, vector<300x300xf32>, vector<2048x300xf32> -> vector<2048x300xf32>
    %mul3A = vector.broadcast %rsqrt3A : vector<2048x1xf32> to vector<2048x300xf32>
    %mul3A_14 = arith.mulf %dot_general3A_13, %mul3A : vector<2048x300xf32>
    %slice3A = vector.extract_strided_slice %mul3A_14 {offsets = [0, 0], sizes = [2048, 128], strides = [1, 1]} : vector<2048x300xf32> to vector<2048x128xf32>
    %swap3A = arith.constant 0 : index
    %swap3A_15 = arith.constant 0 : index
    %swap3A_16 = arith.constant 0 : index
    %swap3A_17 = vector.load %arg4[%swap3A, %swap3A_15, %swap3A_16] : memref<3x2048x128xf32, #tpu.memory_space<vmem>>, vector<1x2048x128xf32>
    %swap3A_18 = vector.shape_cast %swap3A_17 : vector<1x2048x128xf32> to vector<2048x128xf32>
    %swap3A_19 = vector.shape_cast %slice3A : vector<2048x128xf32> to vector<1x2048x128xf32>
    tpu.vector_store %arg4[%swap3A, %swap3A_15, %swap3A_16], %swap3A_19 {strides = array<i32>} : memref<3x2048x128xf32, #tpu.memory_space<vmem>>, vector<1x2048x128xf32>,
    %slice3A_20 = vector.extract_strided_slice %mul3A_14 {offsets = [0, 128], sizes = [2048, 128], strides = [1, 1]} : vector<2048x300xf32> to vector<2048x128xf32>
    %swap3A_21 = arith.constant 1 : index
    %swap3A_22 = arith.constant 0 : index
    %swap3A_23 = arith.constant 0 : index
    %swap3A_24 = vector.load %arg4[%swap3A_21, %swap3A_22, %swap3A_23] : memref<3x2048x128xf32, #tpu.memory_space<vmem>>, vector<1x2048x128xf32>
    %swap3A_25 = vector.shape_cast %swap3A_24 : vector<1x2048x128xf32> to vector<2048x128xf32>
    %swap3A_26 = vector.shape_cast %slice3A_20 : vector<2048x128xf32> to vector<1x2048x128xf32>
    tpu.vector_store %arg4[%swap3A_21, %swap3A_22, %swap3A_23], %swap3A_26 {strides = array<i32>} : memref<3x2048x128xf32, #tpu.memory_space<vmem>>, vector<1x2048x128xf32>,
    %slice3A_27 = vector.extract_strided_slice %mul3A_14 {offsets = [0, 256], sizes = [2048, 44], strides = [1, 1]} : vector<2048x300xf32> to vector<2048x44xf32>
    %broadcast_in_dim3A_28 = arith.constant 0.000000e+00 : f32
    %broadcast_in_dim3A_29 = vector.broadcast %broadcast_in_dim3A_28 : f32 to vector<2048x84xf32>
    %concatenate3A = tpu.concatenate %slice3A_27, %broadcast_in_dim3A_29 in 1 : vector<2048x44xf32>, vector<2048x84xf32> -> vector<2048x128xf32>
    %swap3A_30 = arith.constant 2 : index
    %swap3A_31 = arith.constant 0 : index
    %swap3A_32 = arith.constant 0 : index
    %swap3A_33 = vector.load %arg4[%swap3A_30, %swap3A_31, %swap3A_32] : memref<3x2048x128xf32, #tpu.memory_space<vmem>>, vector<1x2048x128xf32>
    %swap3A_34 = vector.shape_cast %swap3A_33 : vector<1x2048x128xf32> to vector<2048x128xf32>
    %swap3A_35 = vector.shape_cast %concatenate3A : vector<2048x128xf32> to vector<1x2048x128xf32>
    tpu.vector_store %arg4[%swap3A_30, %swap3A_31, %swap3A_32], %swap3A_35 {strides = array<i32>} : memref<3x2048x128xf32, #tpu.memory_space<vmem>>, vector<1x2048x128xf32>,
    %broadcast_in_dim3A_36 = vector.shape_cast %rsqrt3A : vector<2048x1xf32> to vector<2048x1xf32>
    %broadcast_in_dim3A_37 = vector.broadcast %broadcast_in_dim3A_36 : vector<2048x1xf32> to vector<2048x16xf32>
    %swap3A_38 = arith.constant 0 : index
    %swap3A_39 = arith.constant 0 : index
    %swap3A_40 = vector.load %arg5[%swap3A_38, %swap3A_39] : memref<2048x16xf32, #tpu.memory_space<vmem>>, vector<2048x16xf32>
    tpu.vector_store %arg5[%swap3A_38, %swap3A_39], %broadcast_in_dim3A_37 {strides = array<i32>} : memref<2048x16xf32, #tpu.memory_space<vmem>>, vector<2048x16xf32>,
    return
  }
  func.func @transform_0(%arg0: i32) -> (i32, i32) {
    %c0_i32 = arith.constant 0 : i32
    %c0_i32_0 = arith.constant 0 : i32
    return %arg0, %c0_i32 : i32, i32
  }
  func.func @transform_1(%arg0: i32) -> (i32, i32) {
    %c0_i32 = arith.constant 0 : i32
    %c0_i32_0 = arith.constant 0 : i32
    %c0_i32_1 = arith.constant 0 : i32
    return %c0_i32, %c0_i32_0 : i32, i32
  }
  func.func @transform_2(%arg0: i32) -> (i32, i32) {
    %c0_i32 = arith.constant 0 : i32
    %c0_i32_0 = arith.constant 0 : i32
    return %c0_i32, %arg0 : i32, i32
  }
  func.func @transform_3(%arg0: i32) -> (i32, i32, i32) {
    %c0_i32 = arith.constant 0 : i32
    %c0_i32_0 = arith.constant 0 : i32
    %c0_i32_1 = arith.constant 0 : i32
    return %c0_i32, %arg0, %c0_i32_0 : i32, i32, i32
  }
  func.func @transform_4(%arg0: i32) -> (i32, i32) {
    %c0_i32 = arith.constant 0 : i32
    %c0_i32_0 = arith.constant 0 : i32
    return %arg0, %c0_i32 : i32, i32
  }
}

module attributes {stable_mosaic.version = 14 : i64} {
  func.func @_epi_body(%arg0: i32, %arg1: memref<4x2000x128xf32, #tpu.memory_space<vmem>>, %arg2: memref<3x2000x128xf32, #tpu.memory_space<vmem>>, %arg3: memref<2000x16xf32, #tpu.memory_space<vmem>>, %arg4: memref<1x300xf32, #tpu.memory_space<vmem>>, %arg5: memref<2000x300xf32, #tpu.memory_space<vmem>>) attributes {dimension_semantics = [#tpu.dimension_semantics<arbitrary>], iteration_bounds = array<i64: 5>, scalar_prefetch = 0 : i64, scratch_operands = 0 : i64, tpu.core_type = #tpu.core_type<tc>, window_params = [{transform_indices = @transform_0, window_bounds = array<i64: 4, 2000, 128>}, {transform_indices = @transform_1, window_bounds = array<i64: 3, 2000, 128>}, {transform_indices = @transform_2, window_bounds = array<i64: 2000, 16>}, {pipeline_mode = #tpu.pipeline_mode<synchronous>, transform_indices = @transform_3, window_bounds = array<i64: 1, 300>}, {transform_indices = @transform_4, window_bounds = array<i64: 2000, 300>}]} {
    %get3A = arith.constant 0 : index
    %get3A_0 = arith.constant 0 : index
    %get3A_1 = arith.constant 0 : index
    %get3A_2 = vector.load %arg1[%get3A, %get3A_0, %get3A_1] : memref<4x2000x128xf32, #tpu.memory_space<vmem>>, vector<1x2000x128xf32>
    %get3A_3 = vector.shape_cast %get3A_2 : vector<1x2000x128xf32> to vector<2000x128xf32>
    %get3A_4 = arith.constant 0 : index
    %get3A_5 = arith.constant 0 : index
    %get3A_6 = arith.constant 0 : index
    %get3A_7 = vector.load %arg2[%get3A_4, %get3A_5, %get3A_6] : memref<3x2000x128xf32, #tpu.memory_space<vmem>>, vector<1x2000x128xf32>
    %get3A_8 = vector.shape_cast %get3A_7 : vector<1x2000x128xf32> to vector<2000x128xf32>
    %add3A = arith.addf %get3A_3, %get3A_8 : vector<2000x128xf32>
    %get3A_9 = arith.constant 1 : index
    %get3A_10 = arith.constant 0 : index
    %get3A_11 = arith.constant 0 : index
    %get3A_12 = vector.load %arg1[%get3A_9, %get3A_10, %get3A_11] : memref<4x2000x128xf32, #tpu.memory_space<vmem>>, vector<1x2000x128xf32>
    %get3A_13 = vector.shape_cast %get3A_12 : vector<1x2000x128xf32> to vector<2000x128xf32>
    %get3A_14 = arith.constant 1 : index
    %get3A_15 = arith.constant 0 : index
    %get3A_16 = arith.constant 0 : index
    %get3A_17 = vector.load %arg2[%get3A_14, %get3A_15, %get3A_16] : memref<3x2000x128xf32, #tpu.memory_space<vmem>>, vector<1x2000x128xf32>
    %get3A_18 = vector.shape_cast %get3A_17 : vector<1x2000x128xf32> to vector<2000x128xf32>
    %add3A_19 = arith.addf %get3A_13, %get3A_18 : vector<2000x128xf32>
    %get3A_20 = arith.constant 2 : index
    %get3A_21 = arith.constant 0 : index
    %get3A_22 = arith.constant 0 : index
    %get3A_23 = vector.load %arg1[%get3A_20, %get3A_21, %get3A_22] : memref<4x2000x128xf32, #tpu.memory_space<vmem>>, vector<1x2000x128xf32>
    %get3A_24 = vector.shape_cast %get3A_23 : vector<1x2000x128xf32> to vector<2000x128xf32>
    %get3A_25 = arith.constant 3 : index
    %get3A_26 = arith.constant 0 : index
    %get3A_27 = arith.constant 0 : index
    %get3A_28 = vector.load %arg1[%get3A_25, %get3A_26, %get3A_27] : memref<4x2000x128xf32, #tpu.memory_space<vmem>>, vector<1x2000x128xf32>
    %get3A_29 = vector.shape_cast %get3A_28 : vector<1x2000x128xf32> to vector<2000x128xf32>
    %add3A_30 = arith.addf %get3A_24, %get3A_29 : vector<2000x128xf32>
    %get3A_31 = arith.constant 2 : index
    %get3A_32 = arith.constant 0 : index
    %get3A_33 = arith.constant 0 : index
    %get3A_34 = vector.load %arg2[%get3A_31, %get3A_32, %get3A_33] : memref<3x2000x128xf32, #tpu.memory_space<vmem>>, vector<1x2000x128xf32>
    %get3A_35 = vector.shape_cast %get3A_34 : vector<1x2000x128xf32> to vector<2000x128xf32>
    %add3A_36 = arith.addf %add3A_30, %get3A_35 : vector<2000x128xf32>
    %slice3A = vector.extract_strided_slice %add3A_36 {offsets = [0, 0], sizes = [2000, 44], strides = [1, 1]} : vector<2000x128xf32> to vector<2000x44xf32>
    %concatenate3A = tpu.concatenate %add3A, %add3A_19, %slice3A in 1 : vector<2000x128xf32>, vector<2000x128xf32>, vector<2000x44xf32> -> vector<2000x300xf32>
    %get3A_37 = arith.constant 0 : index
    %get3A_38 = arith.constant 0 : index
    %get3A_39 = vector.load %arg3[%get3A_37, %get3A_38] : memref<2000x16xf32, #tpu.memory_space<vmem>>, vector<2000x1xf32>
    %mul3A = vector.broadcast %get3A_39 : vector<2000x1xf32> to vector<2000x300xf32>
    %mul3A_40 = arith.mulf %concatenate3A, %mul3A : vector<2000x300xf32>
    %get3A_41 = arith.constant 0 : index
    %get3A_42 = arith.constant 0 : index
    %get3A_43 = vector.load %arg4[%get3A_41, %get3A_42] : memref<1x300xf32, #tpu.memory_space<vmem>>, vector<1x300xf32>
    %add3A_44 = vector.broadcast %get3A_43 : vector<1x300xf32> to vector<2000x300xf32>
    %add3A_45 = arith.addf %mul3A_40, %add3A_44 : vector<2000x300xf32>
    %max3A = arith.constant 0.000000e+00 : f32
    %max3A_46 = vector.broadcast %max3A : f32 to vector<2000x300xf32>
    %max3A_47 = arith.maximumf %add3A_45, %max3A_46 : vector<2000x300xf32>
    %mul3A_48 = arith.mulf %max3A_47, %max3A_47 : vector<2000x300xf32>
    %reduce_sum3A = arith.constant dense<0.000000e+00> : vector<2000xf32>
    %reduce_sum3A_49 = vector.multi_reduction <add>, %mul3A_48, %reduce_sum3A [1] : vector<2000x300xf32> to vector<2000xf32>
    %broadcast_in_dim3A = vector.shape_cast %reduce_sum3A_49 : vector<2000xf32> to vector<2000x1xf32>
    %sqrt3A = math.sqrt %broadcast_in_dim3A : vector<2000x1xf32>
    %max3A_50 = arith.constant 9.99999996E-13 : f32
    %max3A_51 = vector.broadcast %max3A_50 : f32 to vector<2000x1xf32>
    %max3A_52 = arith.maximumf %sqrt3A, %max3A_51 : vector<2000x1xf32>
    %div3A = vector.broadcast %max3A_52 : vector<2000x1xf32> to vector<2000x300xf32>
    %div3A_53 = arith.divf %max3A_47, %div3A : vector<2000x300xf32>
    %swap3A = arith.constant 0 : index
    %swap3A_54 = arith.constant 0 : index
    %swap3A_55 = vector.load %arg5[%swap3A, %swap3A_54] : memref<2000x300xf32, #tpu.memory_space<vmem>>, vector<2000x300xf32>
    tpu.vector_store %arg5[%swap3A, %swap3A_54], %div3A_53 {strides = array<i32>} : memref<2000x300xf32, #tpu.memory_space<vmem>>, vector<2000x300xf32>,
    return
  }
  func.func @transform_0(%arg0: i32) -> (i32, i32, i32) {
    %c0_i32 = arith.constant 0 : i32
    %c0_i32_0 = arith.constant 0 : i32
    %c0_i32_1 = arith.constant 0 : i32
    return %c0_i32, %arg0, %c0_i32_0 : i32, i32, i32
  }
  func.func @transform_1(%arg0: i32) -> (i32, i32, i32) {
    %c0_i32 = arith.constant 0 : i32
    %c0_i32_0 = arith.constant 0 : i32
    %c0_i32_1 = arith.constant 0 : i32
    return %c0_i32, %arg0, %c0_i32_0 : i32, i32, i32
  }
  func.func @transform_2(%arg0: i32) -> (i32, i32) {
    %c0_i32 = arith.constant 0 : i32
    %c0_i32_0 = arith.constant 0 : i32
    return %arg0, %c0_i32 : i32, i32
  }
  func.func @transform_3(%arg0: i32) -> (i32, i32) {
    %c0_i32 = arith.constant 0 : i32
    %c0_i32_0 = arith.constant 0 : i32
    %c0_i32_1 = arith.constant 0 : i32
    return %c0_i32, %c0_i32_0 : i32, i32
  }
  func.func @transform_4(%arg0: i32) -> (i32, i32) {
    %c0_i32 = arith.constant 0 : i32
    %c0_i32_0 = arith.constant 0 : i32
    return %arg0, %c0_i32 : i32, i32
  }
}

</mosaic_0001>

<sc_bundles>
// kernel: kernel.6.cloned.1.call-start
scs
__scs_entry_jumppad:
0x0: {  	(pc) =	sbr.rel $0x88, $3  }
0x1: {  	(tag) =	ssettag $0x0;
	lr =	simm.s32 $0x1  }
0x2: {  	[smem:$0x3F9D] =	sst lr;
	_ =	strace $0xD0000000  }
0x3: {  	_ = 	snop  }
0x4: {  	_ = 	snop  }
0x5: {  	_ = 	snop  }
0x6: {  	_ = 	snop  }
0x7: {  	_ = 	snop  }
__scs_overlays_trampoline_lowered:
0x8: {  	[smem:$0x3FAC] =	sst s0  }
0x9: {  	[smem:$0x3FAD] =	sst s1  }
0xa: {  	[smem:$0x3FAE] =	sst s2  }
0xb: {  	[smem:$0x3FAF] =	sst s3  }
0xc: {  	[smem:$0x3FB0] =	sst s4  }
0xd: {  	[smem:$0x3FB1] =	sst s5  }
0xe: {  	[smem:$0x3FB2] =	sst s6  }
0xf: {  	[smem:$0x3FB3] =	sst s7  }
0x10: {  	[smem:$0x3FB4] =	sst s8  }
0x11: {  	[smem:$0x3FB5] =	sst s9;
	s0 =	simm.s32 @!p0 $0x0  }
0x12: {  	s1 =	sld [smem:$0x3F9B];
	s0 =	simm.s32 @p0 $0x1  }
0x13: {  	[smem:$0x3FB6] =	sst s0;
	s0 =	simm.s32 @!p1 $0x0  }
0x14: {  	s2 =	sld [smem:$0x3F9A];
	s0 =	simm.s32 @p1 $0x1  }
0x15: {  	[smem:$0x3FB7] =	sst s0;
	s0 =	simm.s32 @!p2 $0x0  }
0x16: {  	s3 =	sld [smem:$0x3FDB];
	s0 =	simm.s32 @p2 $0x1  }
0x17: {  	s4 =	simm.s32 $0x1BF5;
	[smem:$0x3FB9] =	sst s0  }
0x18: {  	s0 =	sld [smem:$0x3F9C];
	_ =	swait.ge [sflag:s4], $0x0  }
0x19: {  	s7 =	sld [smem:$0x3F9D]  }
0x1a: {  	s8 =	sadd.s32 $0xFFFFE003, lr  }
0x1b: {  	s9 =	sadd.s32 $0xFFFFFEF7, lr;
	s5 =	simm.s32 $0xFFFFFFFF;
	p2 =	slt.u32 s8, $0xFFFFF086  }
0x1c: {  	p1 =	slt.u32 s9, $0xF7A;
	s5 =	simm.s32 @!p2 $0x0  }
0x1d: {  	s5 =	simm.s32 @p1 $0x1;
	p0 =	seq.s32 s7, s2  }
0x1e: {  	s7 =	smul.u32 @!p0 $0xF7A, s2;
	p2 =	seq.s32 @!p0 s5, $0x0  }
0x1f: {  	s9 =	smul.u32 $0xF7A, s1;
	s8 =	simm.s32 @!p0 $0x1BF5;
	p2 =	por !p2, p0  }
0x20: {  	[sflag:s8] =	ssyncset.s32 @!p0 $0xFFFFF086;
	s6 =	sadd.s32 @!p0 s3, s7;
	s7 =	simm.s32 @!p0 $0x108  }
0x21: {  	s3 =	sadd.s32 s3, s9;
	s6 =	sadd.s32 @!p0 $0x88, s6;
	s7 =	simm.s32 @p2 $0x1082  }
0x22: {  	[simem:s7], [sflag:s8] =	dma.local @!p0 [hbm:s6], $0xF7A  }
0x23: {  	s9 =	sor.u32 $0xD0000000, s2;
	s6 =	simm.s32 $0x108;
	_ =	swait.ge @!p0 [sflag:s8], $0x0  }
0x24: {  	s3 =	sadd.s32 $0x88, s3;
	s6 =	simm.s32 @!p1 $0x1082;
	[sflag:s4] =	ssyncset.s32 $0xFFFFF086  }
0x25: {  	[simem:s6], [sflag:s4] =	dma.local [hbm:s3], $0xF7A  }
0x26: {  	[smem:$0x3F9D] =	sst s1;
	(tag) =	ssettag s2;
	_ =	strace s9  }
0x27: {  	s1 =	sld [smem:$0x3FAD]  }
0x28: {  	s2 =	sld [smem:$0x3FAE]  }
0x29: {  	s4 =	sld [smem:$0x3FB0]  }
0x2a: {  	p0 =	seq.s32 s5, $0x0;
	s5 =	sld [smem:$0x3FB1]  }
0x2b: {  	s6 =	sld [smem:$0x3FB2]  }
0x2c: {  	s7 =	sld [smem:$0x3FB3]  }
0x2d: {  	s3 =	simm.s32 $0x108;
	s8 =	sld [smem:$0x3FB4]  }
0x2e: {  	s3 =	simm.s32 @!p0 $0x1082;
	s9 =	sld [smem:$0x3FB5]  }
0x2f: {  	lr =	sadd.s32 s0, s3;
	s0 =	sld [smem:$0x3FAC]  }
0x30: {  	s3 =	sld [smem:$0x3FAF]  }
0x31: {  	[smem:$0x3FB8] =	sst s10  }
0x32: {  	s10 =	sld [smem:$0x3FB6];
	_ =	sdelay $0x3  }
0x33: {  	p0 =	seq.s32 s10, $0x1;
	s10 =	sld [smem:$0x3FB8];
	_ =	sdelay $0x3  }
0x34: {  	[smem:$0x3FB8] =	sst s10  }
0x35: {  	s10 =	sld [smem:$0x3FB7];
	_ =	sdelay $0x3  }
0x36: {  	p1 =	seq.s32 s10, $0x1;
	s10 =	sld [smem:$0x3FB8];
	_ =	sdelay $0x3  }
0x37: {  	[smem:$0x3FB8] =	sst s10  }
0x38: {  	s10 =	sld [smem:$0x3FB9]  }
0x39: {  	_ = 	snop;
	(pc) =	sbr.ind lr, $3  }
0x3a: {  	_ = 	snop  }
0x3b: {  	_ = 	snop  }
0x3c: {  	p2 =	seq.s32 s10, $0x1;
	s10 =	sld [smem:$0x3FB8]  }
0x3d: {  	_ =	shalt  }
0x3e: {  	_ =	shalt  }
0x3f: {  	_ =	shalt  }
0x40: {  	_ =	shalt  }
0x41: {  	_ =	shalt  }
0x42: {  	_ =	shalt  }
0x43: {  	_ =	shalt  }
0x44: {  	_ =	shalt  }
0x45: {  	_ =	shalt  }
0x46: {  	_ =	shalt  }
0x47: {  	_ =	shalt  }
0x48: {  	_ =	shalt  }
0x49: {  	_ =	shalt  }
0x4a: {  	_ =	shalt  }
0x4b: {  	_ =	shalt  }
0x4c: {  	_ =	shalt  }
0x4d: {  	_ =	shalt  }
0x4e: {  	_ =	shalt  }
0x4f: {  	_ =	shalt  }
0x50: {  	_ =	shalt  }
0x51: {  	_ =	shalt  }
0x52: {  	_ =	shalt  }
0x53: {  	_ =	shalt  }
0x54: {  	_ =	shalt  }
0x55: {  	_ =	shalt  }
0x56: {  	_ =	shalt  }
0x57: {  	_ =	shalt  }
0x58: {  	_ =	shalt  }
0x59: {  	_ =	shalt  }
0x5a: {  	_ =	shalt  }
0x5b: {  	_ =	shalt  }
0x5c: {  	_ =	shalt  }
0x5d: {  	_ =	shalt  }
0x5e: {  	_ =	shalt  }
0x5f: {  	_ =	shalt  }
0x60: {  	_ =	shalt  }
0x61: {  	_ =	shalt  }
0x62: {  	_ =	shalt  }
0x63: {  	_ =	shalt  }
0x64: {  	_ =	shalt  }
0x65: {  	_ =	shalt  }
0x66: {  	_ =	shalt  }
0x67: {  	_ =	shalt  }
0x68: {  	_ =	shalt  }
0x69: {  	_ =	shalt  }
0x6a: {  	_ =	shalt  }
0x6b: {  	_ =	shalt  }
0x6c: {  	_ =	shalt  }
0x6d: {  	_ =	shalt  }
0x6e: {  	_ =	shalt  }
0x6f: {  	_ =	shalt  }
0x70: {  	_ =	shalt  }
0x71: {  	_ =	shalt  }
0x72: {  	_ =	shalt  }
0x73: {  	_ =	shalt  }
0x74: {  	_ =	shalt  }
0x75: {  	_ =	shalt  }
0x76: {  	_ =	shalt  }
0x77: {  	_ =	shalt  }
0x78: {  	_ =	shalt  }
0x79: {  	_ =	shalt  }
0x7a: {  	_ =	shalt  }
0x7b: {  	_ =	shalt  }
0x7c: {  	_ =	shalt  }
0x7d: {  	_ =	shalt  }
0x7e: {  	_ =	shalt  }
0x7f: {  	_ =	shalt  }
0x80: {  	_ =	shalt  }
0x81: {  	_ =	shalt  }
0x82: {  	_ =	shalt  }
0x83: {  	_ =	shalt  }
0x84: {  	_ =	shalt  }
0x85: {  	_ =	shalt  }
0x86: {  	_ =	shalt  }
0x87: {  	_ =	shalt  }
.Lfunc_end0:
.L_simem_size_0:
called_computation_lowered:
.L_overlay_start_0:
0x88: {  	s2 =	sld [smem:$0x3FD9]  }
0x89: {  	s3 =	sld [smem:$0x3FFE];
	_ =	sdelay $0x1  }
0x8a: {  	s1 =	srdreg.scid  }
0x8b: {  	s0 =	sand.u32 $0x1, s1  }
0x8c: {  	s17 =	sshll.u32 s0, $0xA;
	s2 =	sadd.s32 s3, s2  }
0x8d: {  	s2 =	sadd.s32 s2, s17  }
0x8e: {  	[smem:$0x3FC4] =	sst s2  }
0x8f: {  	_ = 	snop  }
0x90: {  	s2 =	sld [smem:$0x3FD0];
	(tm) =	ssettm $0x1  }
0x91: {  	s18 =	sld [smem:$0x3FFB];
	_ =	sdelay $0x3  }
0x92: {  	_ =	strace s18  }
0x93: {  	s3 =	sld [smem:$0x3FFC];
	_ =	sdelay $0x3  }
0x94: {  	_ =	strace s3  }
0x95: {  	s3 =	sld [smem:$0x3FFD];
	_ =	sdelay $0x3  }
0x96: {  	_ =	strace s3  }
0x97: {  	_ =	strace $0x8FFFFFFF  }
0x98: {  	s19 =	sld [smem:$0x3FDB];
	_ =	sdelay $0x1  }
0x99: {  	s4 =	simm.s32 $_scs_section_size  }
0x9a: {  	s5 =	simm.s32 $_size__tile_overlayer_lowered;
	s6 =	simm.s32 $_tile_overlayer_lowered  }
0x9b: {  	s22 =	simm.s32 $0x1BFF;
	s21 =	sshll.u32 s6, $0x1;
	s3 =	sadd.s32 s4, s19  }
0x9c: {  	s7 =	simm.s32 $0x0;
	s20 =	sshll.u32 s5, $0x1;
	s5 =	sadd.s32 s21, s3  }
0x9d: {  	[timem:s7], [sflag:s22] =	dma.local [hbm:s5], s20  }
0x9e: {  	_ =	swait.ge [sflag:s22], s20  }
0x9f: {  	s4 =	ssub.s32 $0x0, s20;
	[sflag:s22] =	ssyncset.done $0x0  }
0xa0: {  	[sflag:s22] =	ssyncadd.s32 s4;
	_ =	sdelay $0x1  }
0xa1: {  	s23 =	simm.s32 $0x1B8B  }
0xa2: {  	_ =	swait.ge [sflag:s23], $0x1  }
0xa3: {  	[sflag:s23] =	ssyncset.done $0x0  }
0xa4: {  	s25 =	simm.s32 $0x1B8E;
	s24 =	sld [smem:$0x3FFE];
	[sflag:s23] =	ssyncadd.s32 $0xFFFFFFFF  }
0xa5: {  	s26 =	simm.s32 $execute0_lowered;
	[smem:$0x3FD2] =	sst s25  }
0xa6: {  	s5 =	sshll.u32 s26, $0x1;
	_ =	strace $0x80000046;
	[dreg:$0x1] =	wrdreg $0xFFFFFFFF  }
0xa7: {  	s28 =	simm.s32 $_size_execute0_lowered;
	s3 =	sadd.s32 s3, s5;
	[dreg:$0x0] =	wrdreg $0x0  }
0xa8: {  	s5 =	sshll.u32 s28, $0x1;
	[dreg:$0x2] =	wrdreg s3  }
0xa9: {  	[dreg:$0x3] =	wrdreg s5  }
0xaa: {  	[dreg:$0x4] =	wrdreg $0xC0  }
0xab: {  	_ =	task [dreg:s7], $0x5FFFF  }
0xac: {  	[dreg:$0x1] =	wrdreg $0xFFFFFFFF  }
0xad: {  	[dreg:$0x0] =	wrdreg $0x60  }
0xae: {  	[dreg:$0x2] =	wrdreg s2  }
0xaf: {  	[dreg:$0x3] =	wrdreg s24  }
0xb0: {  	[dreg:$0x4] =	wrdreg $0x9  }
0xb1: {  	_ =	task.clear_ibuf [dreg:s7], $0x5FFFF;
	_ =	strace $0x90000046  }
0xb2: {  	s29 =	simm.s32 $0x9;
	_ =	strace $0x80000048  }
0xb3: {  	_ =	swait.ge [sflag:s29], $0x1  }
0xb4: {  	[sflag:s29] =	ssyncadd.s32 $0xFFFFFFFF  }
0xb5: {  	_ =	strace $0x90000048  }
0xb6: {  	_ =	sfence  }
0xb7: {  	s30 =	sld [smem:$0x0];
	_ =	sdelay $0x2  }
0xb8: {  	s31 =	sshll.u32 s1, $0xD;
	s1 =	sshrl.u32 s1, $0x2  }
0xb9: {  	s3 =	sand.u32 $0x4000, s31;
	s1 =	sadd.s32 s1, s30  }
0xba: {  	s0 =	sor.u32 s3, s0;
	s1 =	sshll.u32 s1, $0x11  }
0xbb: {  	s0 =	sor.u32 s1, s0  }
0xbc: {  	s0 =	sadd.s32 $0x8F2B, s0  }
0xbd: {  	[sflag:s0] =	ssyncadd.remote.s32 $0x1  }
0xbe: {  	_ =	sfence.sel $0xFFFF  }
0xbf: {  	[dreg:$0x0] =	wrdreg $0xFFFFFFFF;
	(pc) =	sbr.abs _section_cstart, $3  }
0xc0: {  	[dreg:$0x1] =	wrdreg $0xFFFFFFFF  }
0xc1: {  	_ =	task.clear_ibuf [dreg:s7], $0x2FFFF;
	_ =	strace $0x9FFFFFFF  }
0xc2: {  	(tm) =	ssettm $0x7FFFFFFF  }
0xc3: {  	_ =	shalt  }
tec
execute0_lowered:
.L_overlay_start_1:
0x0: {  	(tag) =	ssettag $0x1  }
0x1: {  	s0 =	srdreg.scid  }
0x2: {  	s4 =	rddreg [dreg:$0x0];
	s3 =	sand.u32 $0x1, s0  }
0x3: {  	s5 =	rddreg [dreg:$0x1];
	s1 =	stileid.u32;
	s6 =	sshll.u32 s3, $0x4  }
0x4: {  	s2 =	simm.s32 $0x0;
	s0 =	rddreg [dreg:$0x2];
	s6 =	sor.u32 s1, s6  }
0x5: {  	[smem:$0x7FF] =	sst s2;
	s8 =	ssub.s32 $0x2, s3;
	s7 =	smul.u32 $0x500, s6  }
0x6: {  	_ =	strace $0x80000047;
	s9 =	sshrl.u32 s8, $0x1;
	s6 =	smul.u32 $0x1400, s6  }
0x7: {  	s3 =	sadd.s32 $0x1200, s5;
	s31 =	ssub.s32 s8, s9;
	s8 =	simm.s32 $0x1  }
0x8: {  	s9 =	simm.s32 $0x0;
	s5 =	sadd.s32 s7, s5;
	s4 =	sadd.s32 s4, s6  }
0x9: {  	v0 =	vimm.f32 $1.000000000e+00;
	s6 =	smax.u32 s31, $0x1;
	s7 =	simm.s32 $0xA000;
	s5 =	sadd.s32 $0x1800, s5  }
.LBB2_1:
0xa: {  	[tilespmem:s7], [sflag:$0x1] =	stream.linear.gather [hbm4b:s3+s2], $0x2800, $0x38;
	[tilespmem:$0xC800] =	vst v63  }
0xb: {  	_ =	swait.ge [sflag:s8], $0x2800  }
0xc: {  	[sflag:s8] =	ssyncset.done $0x0  }
0xd: {  	[sflag:s8] =	ssyncadd.s32 $0xFFFFD800  }
0xe: {  	[tilespmem:s2], [sflag:$0x1] =	stream.linear.gather [hbm4b:s4+s2], $0xA000, $0x38;
	[tilespmem:$0xC800] =	vst v63  }
0xf: {  	_ =	swait.ge [sflag:s8], $0xA000  }
0x10: {  	[sflag:s8] =	ssyncset.done $0x0  }
0x11: {  	s11 =	simm.s32 $0x0;
	s10 =	simm.s32 $0x200;
	[sflag:s8] =	ssyncadd.s32 $0xFFFF6000  }
.LBB2_2:
0x12: {  	p0 =	sne.s32 s10, $0x27E00;
	v1 =	vld [tilespmem:s11+$0x0];
	_ =	sdelay $0x3  }
.Ltmp0:
0x13: {  	(pc) =	sbr.rel @p0 .LBB2_2-.Ltmp0, $2  }
0x14: {  	_ =	sdelay $0x2  }
0x15: {  	s11 =	sshra.s32 s10, $0x2;
	s10 =	sadd.s32 $0x200, s10;
	[tilespmem:v1+s7+$0x0] =	vst.idx.add.f32.msk $0xffff, v0  }
0x16: {  	v1 =	vld [tilespmem:s11+$0x0];
	_ =	sdelay $0x5  }
0x17: {  	s9 =	sadd.s32 $0x1, s9  }
0x18: {  	p0 =	sne.s32 s9, s6  }
.Ltmp1:
0x19: {  	[tilespmem:v1+s7+$0x0] =	vst.idx.add.f32.msk $0xffff, v0;
	(pc) =	sbr.rel @p0 .LBB2_1-.Ltmp1, $4  }
0x1a: {  	[hbm4b:s5+s2] =	stream.linear.scatter [tilespmem:s7], [sflag:$0x1], $0x2800, $0x38;
	[tilespmem:$0xC800] =	vst v63  }
0x1b: {  	_ =	swait.ge [sflag:s8], $0x2800  }
0x1c: {  	[sflag:s8] =	ssyncset.done $0x0  }
0x1d: {  	[sflag:s8] =	ssyncadd.s32 $0xFFFFD800  }
0x1e: {  	_ =	sfence.sel $0x180000  }
0x1f: {  	[bflag:$0x0] =	sbarrier.arrive $0xFFFF  }
0x20: {  	p0 =	sne.s32 s1, $0x0;
	_ =	strace $0x90000047  }
0x21: {  	s0 =	sadd.s32 @!p0 $0x100000, s0;
	[bflag:$0x2] =	sbarrier.arrive $0xFFFF  }
0x22: {  	[sflag:s0] =	ssyncadd.tile.s32 @!p0 $0x1;
	_ =	shalt  }
.Lfunc_end2:
_tile_overlayer_lowered:
.L_overlay_start_2:
0x23: {  	(tag) =	ssettag $0x2  }
0x24: {  	s0 =	rddreg [dreg:$0x0];
	s2 =	stileid.u32  }
0x25: {  	s1 =	rddreg [dreg:$0x1];
	p0 =	sne.s32 s2, $0x0  }
0x26: {  	s3 =	rddreg [dreg:$0x2];
	[bflag:$0x3] =	sbarrier.arrive $0xFFFF;
	s2 =	simm.s32 @!p0 $0x1C01  }
0x27: {  	[timem:s3], [sflag:s2] =	dma.local @!p0 [hbm:s0], s1  }
0x28: {  	s0 =	simm.s32 @!p0 $0x1  }
0x29: {  	_ =	swait.ge @!p0 [sflag:s0], s1  }
0x2a: {  	s1 =	ssub.s32 @!p0 $0x0, s1;
	[sflag:s0] =	ssyncset.done @!p0 $0x0  }
0x2b: {  	[sflag:s0] =	ssyncadd.s32 @!p0 s1  }
0x2c: {  	[bflag:$0x3] =	sbarrier.arrive $0xFFFF  }
0x2d: {  	_ =	shalt  }

// kernel: kernel.9.cloned.1.call-start
scs
__scs_entry_jumppad:
0x0: {  	(pc) =	sbr.rel $0x88, $3  }
0x1: {  	(tag) =	ssettag $0x0;
	lr =	simm.s32 $0x1  }
0x2: {  	[smem:$0x3F9D] =	sst lr;
	_ =	strace $0xD0000000  }
0x3: {  	_ = 	snop  }
0x4: {  	_ = 	snop  }
0x5: {  	_ = 	snop  }
0x6: {  	_ = 	snop  }
0x7: {  	_ = 	snop  }
__scs_overlays_trampoline_lowered:
0x8: {  	[smem:$0x3FAC] =	sst s0  }
0x9: {  	[smem:$0x3FAD] =	sst s1  }
0xa: {  	[smem:$0x3FAE] =	sst s2  }
0xb: {  	[smem:$0x3FAF] =	sst s3  }
0xc: {  	[smem:$0x3FB0] =	sst s4  }
0xd: {  	[smem:$0x3FB1] =	sst s5  }
0xe: {  	[smem:$0x3FB2] =	sst s6  }
0xf: {  	[smem:$0x3FB3] =	sst s7  }
0x10: {  	[smem:$0x3FB4] =	sst s8  }
0x11: {  	[smem:$0x3FB5] =	sst s9;
	s0 =	simm.s32 @!p0 $0x0  }
0x12: {  	s1 =	sld [smem:$0x3F9B];
	s0 =	simm.s32 @p0 $0x1  }
0x13: {  	[smem:$0x3FB6] =	sst s0;
	s0 =	simm.s32 @!p1 $0x0  }
0x14: {  	s2 =	sld [smem:$0x3F9A];
	s0 =	simm.s32 @p1 $0x1  }
0x15: {  	[smem:$0x3FB7] =	sst s0;
	s0 =	simm.s32 @!p2 $0x0  }
0x16: {  	s3 =	sld [smem:$0x3FDB];
	s0 =	simm.s32 @p2 $0x1  }
0x17: {  	s4 =	simm.s32 $0x1BF5;
	[smem:$0x3FB9] =	sst s0  }
0x18: {  	s0 =	sld [smem:$0x3F9C];
	_ =	swait.ge [sflag:s4], $0x0  }
0x19: {  	s7 =	sld [smem:$0x3F9D]  }
0x1a: {  	s8 =	sadd.s32 $0xFFFFE003, lr  }
0x1b: {  	s9 =	sadd.s32 $0xFFFFFEF7, lr;
	s5 =	simm.s32 $0xFFFFFFFF;
	p2 =	slt.u32 s8, $0xFFFFF086  }
0x1c: {  	p1 =	slt.u32 s9, $0xF7A;
	s5 =	simm.s32 @!p2 $0x0  }
0x1d: {  	s5 =	simm.s32 @p1 $0x1;
	p0 =	seq.s32 s7, s2  }
0x1e: {  	s7 =	smul.u32 @!p0 $0xF7A, s2;
	p2 =	seq.s32 @!p0 s5, $0x0  }
0x1f: {  	s9 =	smul.u32 $0xF7A, s1;
	s8 =	simm.s32 @!p0 $0x1BF5;
	p2 =	por !p2, p0  }
0x20: {  	[sflag:s8] =	ssyncset.s32 @!p0 $0xFFFFF086;
	s6 =	sadd.s32 @!p0 s3, s7;
	s7 =	simm.s32 @!p0 $0x108  }
0x21: {  	s3 =	sadd.s32 s3, s9;
	s6 =	sadd.s32 @!p0 $0x88, s6;
	s7 =	simm.s32 @p2 $0x1082  }
0x22: {  	[simem:s7], [sflag:s8] =	dma.local @!p0 [hbm:s6], $0xF7A  }
0x23: {  	s9 =	sor.u32 $0xD0000000, s2;
	s6 =	simm.s32 $0x108;
	_ =	swait.ge @!p0 [sflag:s8], $0x0  }
0x24: {  	s3 =	sadd.s32 $0x88, s3;
	s6 =	simm.s32 @!p1 $0x1082;
	[sflag:s4] =	ssyncset.s32 $0xFFFFF086  }
0x25: {  	[simem:s6], [sflag:s4] =	dma.local [hbm:s3], $0xF7A  }
0x26: {  	[smem:$0x3F9D] =	sst s1;
	(tag) =	ssettag s2;
	_ =	strace s9  }
0x27: {  	s1 =	sld [smem:$0x3FAD]  }
0x28: {  	s2 =	sld [smem:$0x3FAE]  }
0x29: {  	s4 =	sld [smem:$0x3FB0]  }
0x2a: {  	p0 =	seq.s32 s5, $0x0;
	s5 =	sld [smem:$0x3FB1]  }
0x2b: {  	s6 =	sld [smem:$0x3FB2]  }
0x2c: {  	s7 =	sld [smem:$0x3FB3]  }
0x2d: {  	s3 =	simm.s32 $0x108;
	s8 =	sld [smem:$0x3FB4]  }
0x2e: {  	s3 =	simm.s32 @!p0 $0x1082;
	s9 =	sld [smem:$0x3FB5]  }
0x2f: {  	lr =	sadd.s32 s0, s3;
	s0 =	sld [smem:$0x3FAC]  }
0x30: {  	s3 =	sld [smem:$0x3FAF]  }
0x31: {  	[smem:$0x3FB8] =	sst s10  }
0x32: {  	s10 =	sld [smem:$0x3FB6];
	_ =	sdelay $0x3  }
0x33: {  	p0 =	seq.s32 s10, $0x1;
	s10 =	sld [smem:$0x3FB8];
	_ =	sdelay $0x3  }
0x34: {  	[smem:$0x3FB8] =	sst s10  }
0x35: {  	s10 =	sld [smem:$0x3FB7];
	_ =	sdelay $0x3  }
0x36: {  	p1 =	seq.s32 s10, $0x1;
	s10 =	sld [smem:$0x3FB8];
	_ =	sdelay $0x3  }
0x37: {  	[smem:$0x3FB8] =	sst s10  }
0x38: {  	s10 =	sld [smem:$0x3FB9]  }
0x39: {  	_ = 	snop;
	(pc) =	sbr.ind lr, $3  }
0x3a: {  	_ = 	snop  }
0x3b: {  	_ = 	snop  }
0x3c: {  	p2 =	seq.s32 s10, $0x1;
	s10 =	sld [smem:$0x3FB8]  }
0x3d: {  	_ =	shalt  }
0x3e: {  	_ =	shalt  }
0x3f: {  	_ =	shalt  }
0x40: {  	_ =	shalt  }
0x41: {  	_ =	shalt  }
0x42: {  	_ =	shalt  }
0x43: {  	_ =	shalt  }
0x44: {  	_ =	shalt  }
0x45: {  	_ =	shalt  }
0x46: {  	_ =	shalt  }
0x47: {  	_ =	shalt  }
0x48: {  	_ =	shalt  }
0x49: {  	_ =	shalt  }
0x4a: {  	_ =	shalt  }
0x4b: {  	_ =	shalt  }
0x4c: {  	_ =	shalt  }
0x4d: {  	_ =	shalt  }
0x4e: {  	_ =	shalt  }
0x4f: {  	_ =	shalt  }
0x50: {  	_ =	shalt  }
0x51: {  	_ =	shalt  }
0x52: {  	_ =	shalt  }
0x53: {  	_ =	shalt  }
0x54: {  	_ =	shalt  }
0x55: {  	_ =	shalt  }
0x56: {  	_ =	shalt  }
0x57: {  	_ =	shalt  }
0x58: {  	_ =	shalt  }
0x59: {  	_ =	shalt  }
0x5a: {  	_ =	shalt  }
0x5b: {  	_ =	shalt  }
0x5c: {  	_ =	shalt  }
0x5d: {  	_ =	shalt  }
0x5e: {  	_ =	shalt  }
0x5f: {  	_ =	shalt  }
0x60: {  	_ =	shalt  }
0x61: {  	_ =	shalt  }
0x62: {  	_ =	shalt  }
0x63: {  	_ =	shalt  }
0x64: {  	_ =	shalt  }
0x65: {  	_ =	shalt  }
0x66: {  	_ =	shalt  }
0x67: {  	_ =	shalt  }
0x68: {  	_ =	shalt  }
0x69: {  	_ =	shalt  }
0x6a: {  	_ =	shalt  }
0x6b: {  	_ =	shalt  }
0x6c: {  	_ =	shalt  }
0x6d: {  	_ =	shalt  }
0x6e: {  	_ =	shalt  }
0x6f: {  	_ =	shalt  }
0x70: {  	_ =	shalt  }
0x71: {  	_ =	shalt  }
0x72: {  	_ =	shalt  }
0x73: {  	_ =	shalt  }
0x74: {  	_ =	shalt  }
0x75: {  	_ =	shalt  }
0x76: {  	_ =	shalt  }
0x77: {  	_ =	shalt  }
0x78: {  	_ =	shalt  }
0x79: {  	_ =	shalt  }
0x7a: {  	_ =	shalt  }
0x7b: {  	_ =	shalt  }
0x7c: {  	_ =	shalt  }
0x7d: {  	_ =	shalt  }
0x7e: {  	_ =	shalt  }
0x7f: {  	_ =	shalt  }
0x80: {  	_ =	shalt  }
0x81: {  	_ =	shalt  }
0x82: {  	_ =	shalt  }
0x83: {  	_ =	shalt  }
0x84: {  	_ =	shalt  }
0x85: {  	_ =	shalt  }
0x86: {  	_ =	shalt  }
0x87: {  	_ =	shalt  }
.Lfunc_end0:
.L_simem_size_0:
called_computation.1_lowered:
.L_overlay_start_0:
0x88: {  	s2 =	sld [smem:$0x3FD9]  }
0x89: {  	s3 =	sld [smem:$0x3FFE];
	_ =	sdelay $0x1  }
0x8a: {  	s1 =	srdreg.scid  }
0x8b: {  	s0 =	sand.u32 $0x1, s1  }
0x8c: {  	s17 =	sshll.u32 s0, $0xA;
	s2 =	sadd.s32 s3, s2  }
0x8d: {  	s2 =	sadd.s32 s2, s17  }
0x8e: {  	[smem:$0x3FC4] =	sst s2  }
0x8f: {  	_ = 	snop  }
0x90: {  	s2 =	sld [smem:$0x3FD0];
	(tm) =	ssettm $0x1  }
0x91: {  	s18 =	sld [smem:$0x3FFB];
	_ =	sdelay $0x3  }
0x92: {  	_ =	strace s18  }
0x93: {  	s3 =	sld [smem:$0x3FFC];
	_ =	sdelay $0x3  }
0x94: {  	_ =	strace s3  }
0x95: {  	s3 =	sld [smem:$0x3FFD];
	_ =	sdelay $0x3  }
0x96: {  	_ =	strace s3  }
0x97: {  	_ =	strace $0x8FFFFFFF  }
0x98: {  	s19 =	sld [smem:$0x3FDB];
	_ =	sdelay $0x1  }
0x99: {  	s4 =	simm.s32 $_scs_section_size  }
0x9a: {  	s5 =	simm.s32 $_size__tile_overlayer_lowered;
	s6 =	simm.s32 $_tile_overlayer_lowered  }
0x9b: {  	s22 =	simm.s32 $0x1BFF;
	s21 =	sshll.u32 s6, $0x1;
	s3 =	sadd.s32 s4, s19  }
0x9c: {  	s7 =	simm.s32 $0x0;
	s20 =	sshll.u32 s5, $0x1;
	s5 =	sadd.s32 s21, s3  }
0x9d: {  	[timem:s7], [sflag:s22] =	dma.local [hbm:s5], s20  }
0x9e: {  	_ =	swait.ge [sflag:s22], s20  }
0x9f: {  	s4 =	ssub.s32 $0x0, s20;
	[sflag:s22] =	ssyncset.done $0x0  }
0xa0: {  	[sflag:s22] =	ssyncadd.s32 s4;
	_ =	sdelay $0x1  }
0xa1: {  	s23 =	simm.s32 $0x1B8B  }
0xa2: {  	_ =	swait.ge [sflag:s23], $0x1  }
0xa3: {  	[sflag:s23] =	ssyncset.done $0x0  }
0xa4: {  	s25 =	simm.s32 $0x1B8E;
	s24 =	sld [smem:$0x3FFE];
	[sflag:s23] =	ssyncadd.s32 $0xFFFFFFFF  }
0xa5: {  	s26 =	simm.s32 $execute0_lowered;
	[smem:$0x3FD2] =	sst s25  }
0xa6: {  	s5 =	sshll.u32 s26, $0x1;
	_ =	strace $0x80000049;
	[dreg:$0x1] =	wrdreg $0xFFFFFFFF  }
0xa7: {  	s28 =	simm.s32 $_size_execute0_lowered;
	s3 =	sadd.s32 s3, s5;
	[dreg:$0x0] =	wrdreg $0x0  }
0xa8: {  	s5 =	sshll.u32 s28, $0x1;
	[dreg:$0x2] =	wrdreg s3  }
0xa9: {  	[dreg:$0x3] =	wrdreg s5  }
0xaa: {  	[dreg:$0x4] =	wrdreg $0xC0  }
0xab: {  	_ =	task [dreg:s7], $0x5FFFF  }
0xac: {  	[dreg:$0x1] =	wrdreg $0xFFFFFFFF  }
0xad: {  	[dreg:$0x0] =	wrdreg $0x60  }
0xae: {  	[dreg:$0x2] =	wrdreg s24  }
0xaf: {  	[dreg:$0x3] =	wrdreg s2  }
0xb0: {  	[dreg:$0x4] =	wrdreg $0xA8000  }
0xb1: {  	[dreg:$0x5] =	wrdreg $0x9  }
0xb2: {  	_ =	task.clear_ibuf [dreg:s7], $0x6FFFF;
	_ =	strace $0x90000049  }
0xb3: {  	s29 =	simm.s32 $0x9;
	_ =	strace $0x8000004B  }
0xb4: {  	_ =	swait.ge [sflag:s29], $0x1  }
0xb5: {  	[sflag:s29] =	ssyncadd.s32 $0xFFFFFFFF  }
0xb6: {  	_ =	strace $0x9000004B  }
0xb7: {  	_ =	sfence  }
0xb8: {  	s30 =	sld [smem:$0x0];
	_ =	sdelay $0x2  }
0xb9: {  	s31 =	sshll.u32 s1, $0xD;
	s1 =	sshrl.u32 s1, $0x2  }
0xba: {  	s3 =	sand.u32 $0x4000, s31;
	s1 =	sadd.s32 s1, s30  }
0xbb: {  	s0 =	sor.u32 s3, s0;
	s1 =	sshll.u32 s1, $0x11  }
0xbc: {  	s0 =	sor.u32 s1, s0  }
0xbd: {  	s0 =	sadd.s32 $0x8F2B, s0  }
0xbe: {  	[sflag:s0] =	ssyncadd.remote.s32 $0x1  }
0xbf: {  	_ =	sfence.sel $0xFFFF  }
0xc0: {  	[dreg:$0x0] =	wrdreg $0xFFFFFFFF;
	(pc) =	sbr.abs _section_cstart, $3  }
0xc1: {  	[dreg:$0x1] =	wrdreg $0xFFFFFFFF  }
0xc2: {  	_ =	task.clear_ibuf [dreg:s7], $0x2FFFF;
	_ =	strace $0x9FFFFFFF  }
0xc3: {  	(tm) =	ssettm $0x7FFFFFFF  }
tec
execute0_lowered:
.L_overlay_start_1:
0x0: {  	(tag) =	ssettag $0x1  }
0x1: {  	s14 =	rddreg [dreg:$0x0];
	s20 =	stileid.u32  }
0x2: {  	s0 =	srdreg.scid;
	s7 =	smul.u32 $0x280, s20  }
0x3: {  	s3 =	rddreg [dreg:$0x2];
	s4 =	simm.s32 $0x0;
	s10 =	smul.u32 $0x50000, s20  }
0x4: {  	s19 =	simm.s32 $0x1400;
	s28 =	simm.s32 $0x2780;
	s24 =	smul.u32 $0x500, s20  }
0x5: {  	s29 =	simm.s32 $0x0;
	s5 =	sand.u32 $0x1, s0;
	s26 =	smul.u32 $0x2800, s20  }
0x6: {  	[smem:$0x7FF] =	sst s4;
	s12 =	sadd.s32 $0x10800, s14;
	s6 =	smul.u32 $0x28000, s5  }
0x7: {  	s13 =	sadd.s32 $0xB800, s14;
	s31 =	sshll.u32 s20, $0x6;
	s8 =	smul.u32 $0x2800, s5  }
0x8: {  	_ =	strace $0x8000004A;
	s22 =	ssub.s32 $0x2, s5;
	s5 =	sshll.u32 s5, $0x4  }
0x9: {  	s23 =	sshrl.u32 s22, $0x1;
	s25 =	sshrl.u32 s10, $0x2;
	s30 =	sor.u32 s20, s5  }
0xa: {  	s5 =	sor.u32 $0x1C03, s31;
	s20 =	simm.s32 $0x7D;
	s9 =	sadd.s32 s6, s14  }
0xb: {  	s21 =	sadd.s32 s7, s8;
	s16 =	ssub.s32 s22, s23;
	s17 =	sadd.s32 s25, s3  }
0xc: {  	s8 =	sshrl.u32 s26, $0x3;
	s7 =	sadd.s32 s13, s24;
	s18 =	smul.u32 $0x280, s30  }
0xd: {  	s22 =	simm.s32 $0x6800;
	s23 =	simm.s32 $0x1;
	s25 =	simm.s32 $0x1380  }
0xe: {  	s26 =	simm.s32 $0x2700;
	s6 =	sshll.u32 s21, $0x4;
	s11 =	sadd.s32 $0x280, s8  }
0xf: {  	s8 =	sadd.s32 $0x15800, s9;
	s16 =	smax.u32 s16, $0x1;
	s17 =	sshrl.u32 s17, $0x3  }
0x10: {  	s21 =	simm.s32 $0x2800;
	s15 =	sadd.s32 s6, s14;
	s6 =	sadd.s32 s12, s24  }
0x11: {  	s9 =	sadd.s32 s12, s11;
	s10 =	sadd.s32 s13, s11;
	s12 =	sadd.s32 s12, s18  }
0x12: {  	s13 =	sadd.s32 s13, s18;
	s14 =	sadd.s32 $0x65800, s14;
	s18 =	simm.s32 $0x3  }
0x13: {  	s24 =	simm.s32 $0x2;
	s11 =	sadd.s32 $0x8D800, s15;
	s15 =	sadd.s32 $0xDD800, s15  }
.LBB2_1:
0x14: {  	s0 =	rddreg [dreg:$0x1]  }
0x15: {  	[spmem:s17], [sflag:s5] =	dma.local [hbm:s0], $0x2800  }
0x16: {  	_ =	swait.ge [sflag:s18], $0x2800  }
0x17: {  	[sflag:s18] =	ssyncset.done $0x0  }
0x18: {  	[sflag:s18] =	ssyncadd.s32 $0xFFFFD800  }
0x19: {  	[tilespmem:s4], [sflag:$0x3] =	stream.linear.gather [hbm4b:s6+s4], $0x1400, $0x38;
	[tilespmem:$0x1E800] =	vst v63  }
0x1a: {  	_ =	swait.ge [sflag:s18], $0x1400  }
0x1b: {  	[sflag:s18] =	ssyncset.done $0x0  }
0x1c: {  	[sflag:s18] =	ssyncadd.s32 $0xFFFFEC00  }
0x1d: {  	[tilespmem:s19], [sflag:$0x3] =	stream.linear.gather [hbm4b:s7+s4], $0x1400, $0x38;
	[tilespmem:$0x1E800] =	vst v63  }
0x1e: {  	_ =	swait.ge [sflag:s18], $0x1400  }
0x1f: {  	[sflag:s18] =	ssyncset.done $0x0  }
0x20: {  	[sflag:s18] =	ssyncadd.s32 $0xFFFFEC00  }
0x21: {  	[bflag:$0x0] =	sbarrier.arrive $0xFFFF  }
0x22: {  	[tilespmem:s21], [sflag:$0x1] =	stream.indirect.gather [hbm4b:s8+s20], $0x80, s4, s20, $0xb8;
	[tilespmem:$0x1E800] =	vst v63  }
0x23: {  	s30 =	simm.s32 $0x80  }
0x24: {  	[tilespmem:s22], [sflag:$0x2] =	stream.indirect.gather [hbm4b:s8+s20], $0x80, s30, s20, $0xb8;
	[tilespmem:$0x1E800] =	vst v63  }
0x25: {  	_ =	swait.ge [sflag:s23], $0x3E80  }
0x26: {  	[sflag:s23] =	ssyncset.done $0x0  }
0x27: {  	s30 =	simm.s32 $0x1400;
	[sflag:s23] =	ssyncadd.s32 $0xFFFFC180  }
0x28: {  	[spmem:s3] =	stream.indirect.scatter.add.f32 [tilespmem:s21], [sflag:$0x3], $0x80, s30, s20, $0xb8;
	[tilespmem:$0x1E800] =	vst v63  }
0x29: {  	_ =	swait.ge [sflag:s18], $0x3E80  }
0x2a: {  	[sflag:s18] =	ssyncset.done $0x0  }
0x2b: {  	s30 =	simm.s32 $0x100;
	[sflag:s18] =	ssyncadd.s32 $0xFFFFC180  }
0x2c: {  	[tilespmem:s21], [sflag:$0x1] =	stream.indirect.gather [hbm4b:s8+s20], $0x80, s30, s20, $0xb8;
	[tilespmem:$0x1E800] =	vst v63  }
0x2d: {  	_ =	swait.ge [sflag:s24], $0x3E80  }
0x2e: {  	[sflag:s24] =	ssyncset.done $0x0  }
0x2f: {  	s30 =	simm.s32 $0x1480;
	[sflag:s24] =	ssyncadd.s32 $0xFFFFC180  }
0x30: {  	[spmem:s3] =	stream.indirect.scatter.add.f32 [tilespmem:s22], [sflag:$0x3], $0x80, s30, s20, $0xb8;
	[tilespmem:$0x1E800] =	vst v63  }
0x31: {  	_ =	swait.ge [sflag:s18], $0x3E80  }
0x32: {  	s31 =	simm.s32 $0x800;
	s30 =	simm.s32 $0x100;
	[sflag:s18] =	ssyncset.done $0x0  }
.LBB2_2:
0x33: {  	s0 =	sadd.s32 $0x80, s30  }
0x34: {  	[sflag:s18] =	ssyncadd.s32 $0xFFFFC180;
	s2 =	smov.u32 s31;
	s1 =	sadd.s32 $0x400, s31  }
0x35: {  	[tilespmem:s22], [sflag:$0x2] =	stream.indirect.gather [hbm4b:s8+s20], $0x80, s0, s20, $0xb8;
	[tilespmem:$0x1E800] =	vst v63  }
0x36: {  	p0 =	sne.s32 s31, $0x4800;
	_ =	swait.ge [sflag:s23], $0x3E80  }
0x37: {  	[sflag:s23] =	ssyncset.done $0x0  }
0x38: {  	s0 =	sadd.s32 $0x1400, s30;
	[sflag:s23] =	ssyncadd.s32 $0xFFFFC180  }
0x39: {  	[spmem:s3] =	stream.indirect.scatter.add.f32 [tilespmem:s21], [sflag:$0x3], $0x80, s0, s20, $0xb8;
	[tilespmem:$0x1E800] =	vst v63  }
0x3a: {  	_ =	swait.ge [sflag:s18], $0x3E80  }
0x3b: {  	[sflag:s18] =	ssyncset.done $0x0  }
0x3c: {  	s0 =	sadd.s32 $0x100, s30;
	[sflag:s18] =	ssyncadd.s32 $0xFFFFC180  }
0x3d: {  	[tilespmem:s21], [sflag:$0x1] =	stream.indirect.gather [hbm4b:s8+s20], $0x80, s0, s20, $0xb8;
	[tilespmem:$0x1E800] =	vst v63  }
0x3e: {  	_ =	swait.ge [sflag:s24], $0x3E80  }
.Ltmp0:
0x3f: {  	[sflag:s24] =	ssyncset.done $0x0;
	(pc) =	sbr.rel @p0 .LBB2_2-.Ltmp0, $4  }
0x40: {  	s0 =	sadd.s32 $0x1480, s30;
	[sflag:s24] =	ssyncadd.s32 $0xFFFFC180  }
0x41: {  	[spmem:s3] =	stream.indirect.scatter.add.f32 [tilespmem:s22], [sflag:$0x3], $0x80, s0, s20, $0xb8;
	[tilespmem:$0x1E800] =	vst v63  }
0x42: {  	_ =	swait.ge [sflag:s18], $0x3E80  }
0x43: {  	s31 =	smov.u32 s1;
	s30 =	sshra.s32 s2, $0x2;
	[sflag:s18] =	ssyncset.done $0x0  }
0x44: {  	s0 =	sadd.s32 $0x80, s30;
	[sflag:s18] =	ssyncadd.s32 $0xFFFFC180  }
0x45: {  	[tilespmem:s22], [sflag:$0x2] =	stream.indirect.gather [hbm4b:s8+s20], $0x80, s0, s20, $0xb8;
	[tilespmem:$0x1E800] =	vst v63  }
0x46: {  	_ =	swait.ge [sflag:s23], $0x3E80  }
0x47: {  	[sflag:s23] =	ssyncset.done $0x0  }
0x48: {  	s1 =	sadd.s32 $0x1400, s30;
	[sflag:s23] =	ssyncadd.s32 $0xFFFFC180  }
0x49: {  	[spmem:s3] =	stream.indirect.scatter.add.f32 [tilespmem:s21], [sflag:$0x3], $0x80, s1, s20, $0xb8;
	[tilespmem:$0x1E800] =	vst v63  }
0x4a: {  	_ =	swait.ge [sflag:s18], $0x3E80  }
0x4b: {  	[sflag:s18] =	ssyncset.done $0x0  }
0x4c: {  	s2 =	sadd.s32 $0x100, s30;
	[sflag:s18] =	ssyncadd.s32 $0xFFFFC180  }
0x4d: {  	[tilespmem:s21], [sflag:$0x1] =	stream.indirect.gather [hbm4b:s8+s20], $0x80, s2, s20, $0xb8;
	[tilespmem:$0x1E800] =	vst v63  }
0x4e: {  	_ =	swait.ge [sflag:s24], $0x3E80  }
0x4f: {  	[sflag:s24] =	ssyncset.done $0x0  }
0x50: {  	s1 =	sadd.s32 $0x1480, s30;
	[sflag:s24] =	ssyncadd.s32 $0xFFFFC180  }
0x51: {  	[spmem:s3] =	stream.indirect.scatter.add.f32 [tilespmem:s22], [sflag:$0x3], $0x80, s1, s20, $0xb8;
	[tilespmem:$0x1E800] =	vst v63  }
0x52: {  	_ =	swait.ge [sflag:s18], $0x3E80  }
0x53: {  	[sflag:s18] =	ssyncset.done $0x0  }
0x54: {  	[sflag:s18] =	ssyncadd.s32 $0xFFFFC180  }
0x55: {  	[tilespmem:s22], [sflag:$0x2] =	stream.indirect.gather [hbm4b:s8+s20], $0x80, s25, s20, $0xb8;
	[tilespmem:$0x1E800] =	vst v63  }
0x56: {  	_ =	swait.ge [sflag:s23], $0x3E80  }
0x57: {  	[sflag:s23] =	ssyncset.done $0x0  }
0x58: {  	[sflag:s23] =	ssyncadd.s32 $0xFFFFC180  }
0x59: {  	[spmem:s3] =	stream.indirect.scatter.add.f32 [tilespmem:s21], [sflag:$0x3], $0x80, s26, s20, $0xb8;
	[tilespmem:$0x1E800] =	vst v63  }
0x5a: {  	_ =	swait.ge [sflag:s18], $0x3E80  }
0x5b: {  	[sflag:s18] =	ssyncset.done $0x0  }
0x5c: {  	[sflag:s18] =	ssyncadd.s32 $0xFFFFC180  }
0x5d: {  	_ =	swait.ge [sflag:s24], $0x3E80  }
0x5e: {  	[sflag:s24] =	ssyncset.done $0x0  }
0x5f: {  	[sflag:s24] =	ssyncadd.s32 $0xFFFFC180  }
0x60: {  	[spmem:s3] =	stream.indirect.scatter.add.f32 [tilespmem:s22], [sflag:$0x3], $0x80, s28, s20, $0xb8;
	[tilespmem:$0x1E800] =	vst v63  }
0x61: {  	_ =	swait.ge [sflag:s18], $0x3E80  }
0x62: {  	[sflag:s18] =	ssyncset.done $0x0  }
0x63: {  	s2 =	simm.s32 $0x0;
	[sflag:s18] =	ssyncadd.s32 $0xFFFFC180  }
0x64: {  	[tilespmem:s2], [sflag:$0x3] =	stream.linear.gather [hbm4b:s9+s2], $0x1400, $0x38;
	[tilespmem:$0x1E800] =	vst v63  }
0x65: {  	_ =	swait.ge [sflag:s18], $0x1400  }
0x66: {  	[sflag:s18] =	ssyncset.done $0x0  }
0x67: {  	[sflag:s18] =	ssyncadd.s32 $0xFFFFEC00  }
0x68: {  	[tilespmem:s19], [sflag:$0x3] =	stream.linear.gather [hbm4b:s10+s2], $0x1400, $0x38;
	[tilespmem:$0x1E800] =	vst v63  }
0x69: {  	_ =	swait.ge [sflag:s18], $0x1400  }
0x6a: {  	[sflag:s18] =	ssyncset.done $0x0  }
0x6b: {  	[sflag:s18] =	ssyncadd.s32 $0xFFFFEC00  }
0x6c: {  	[tilespmem:s21], [sflag:$0x1] =	stream.indirect.gather [hbm4b:s8+s20], $0x80, s2, s20, $0xb8;
	[tilespmem:$0x1E800] =	vst v63  }
0x6d: {  	s1 =	simm.s32 $0x80  }
0x6e: {  	[tilespmem:s22], [sflag:$0x2] =	stream.indirect.gather [hbm4b:s8+s20], $0x80, s1, s20, $0xb8;
	[tilespmem:$0x1E800] =	vst v63  }
0x6f: {  	_ =	swait.ge [sflag:s23], $0x3E80  }
0x70: {  	[sflag:s23] =	ssyncset.done $0x0  }
0x71: {  	s2 =	simm.s32 $0x1400;
	[sflag:s23] =	ssyncadd.s32 $0xFFFFC180  }
0x72: {  	[spmem:s3] =	stream.indirect.scatter.add.f32 [tilespmem:s21], [sflag:$0x3], $0x80, s2, s20, $0xb8;
	[tilespmem:$0x1E800] =	vst v63  }
0x73: {  	_ =	swait.ge [sflag:s18], $0x3E80  }
0x74: {  	[sflag:s18] =	ssyncset.done $0x0  }
0x75: {  	s1 =	simm.s32 $0x100;
	[sflag:s18] =	ssyncadd.s32 $0xFFFFC180  }
0x76: {  	[tilespmem:s21], [sflag:$0x1] =	stream.indirect.gather [hbm4b:s8+s20], $0x80, s1, s20, $0xb8;
	[tilespmem:$0x1E800] =	vst v63  }
0x77: {  	_ =	swait.ge [sflag:s24], $0x3E80  }
0x78: {  	[sflag:s24] =	ssyncset.done $0x0  }
0x79: {  	s2 =	simm.s32 $0x1480;
	[sflag:s24] =	ssyncadd.s32 $0xFFFFC180  }
0x7a: {  	[spmem:s3] =	stream.indirect.scatter.add.f32 [tilespmem:s22], [sflag:$0x3], $0x80, s2, s20, $0xb8;
	[tilespmem:$0x1E800] =	vst v63  }
0x7b: {  	_ =	swait.ge [sflag:s18], $0x3E80  }
0x7c: {  	s31 =	simm.s32 $0x800;
	s30 =	simm.s32 $0x100;
	[sflag:s18] =	ssyncset.done $0x0  }
.LBB2_4:
0x7d: {  	s0 =	sadd.s32 $0x80, s30  }
0x7e: {  	[sflag:s18] =	ssyncadd.s32 $0xFFFFC180;
	s1 =	smov.u32 s31;
	s2 =	sadd.s32 $0x400, s31  }
0x7f: {  	[tilespmem:s22], [sflag:$0x2] =	stream.indirect.gather [hbm4b:s8+s20], $0x80, s0, s20, $0xb8;
	[tilespmem:$0x1E800] =	vst v63  }
0x80: {  	p0 =	sne.s32 s31, $0x4800;
	_ =	swait.ge [sflag:s23], $0x3E80  }
0x81: {  	[sflag:s23] =	ssyncset.done $0x0  }
0x82: {  	s0 =	sadd.s32 $0x1400, s30;
	[sflag:s23] =	ssyncadd.s32 $0xFFFFC180  }
0x83: {  	[spmem:s3] =	stream.indirect.scatter.add.f32 [tilespmem:s21], [sflag:$0x3], $0x80, s0, s20, $0xb8;
	[tilespmem:$0x1E800] =	vst v63  }
0x84: {  	_ =	swait.ge [sflag:s18], $0x3E80  }
0x85: {  	[sflag:s18] =	ssyncset.done $0x0  }
0x86: {  	s0 =	sadd.s32 $0x100, s30;
	[sflag:s18] =	ssyncadd.s32 $0xFFFFC180  }
0x87: {  	[tilespmem:s21], [sflag:$0x1] =	stream.indirect.gather [hbm4b:s8+s20], $0x80, s0, s20, $0xb8;
	[tilespmem:$0x1E800] =	vst v63  }
0x88: {  	_ =	swait.ge [sflag:s24], $0x3E80  }
.Ltmp1:
0x89: {  	[sflag:s24] =	ssyncset.done $0x0;
	(pc) =	sbr.rel @p0 .LBB2_4-.Ltmp1, $4  }
0x8a: {  	s0 =	sadd.s32 $0x1480, s30;
	[sflag:s24] =	ssyncadd.s32 $0xFFFFC180  }
0x8b: {  	[spmem:s3] =	stream.indirect.scatter.add.f32 [tilespmem:s22], [sflag:$0x3], $0x80, s0, s20, $0xb8;
	[tilespmem:$0x1E800] =	vst v63  }
0x8c: {  	_ =	swait.ge [sflag:s18], $0x3E80  }
0x8d: {  	s31 =	smov.u32 s2;
	s30 =	sshra.s32 s1, $0x2;
	[sflag:s18] =	ssyncset.done $0x0  }
0x8e: {  	s0 =	sadd.s32 $0x80, s30;
	[sflag:s18] =	ssyncadd.s32 $0xFFFFC180  }
0x8f: {  	[tilespmem:s22], [sflag:$0x2] =	stream.indirect.gather [hbm4b:s8+s20], $0x80, s0, s20, $0xb8;
	[tilespmem:$0x1E800] =	vst v63  }
0x90: {  	_ =	swait.ge [sflag:s23], $0x3E80  }
0x91: {  	[sflag:s23] =	ssyncset.done $0x0  }
0x92: {  	s2 =	sadd.s32 $0x1400, s30;
	[sflag:s23] =	ssyncadd.s32 $0xFFFFC180  }
0x93: {  	[spmem:s3] =	stream.indirect.scatter.add.f32 [tilespmem:s21], [sflag:$0x3], $0x80, s2, s20, $0xb8;
	[tilespmem:$0x1E800] =	vst v63  }
0x94: {  	_ =	swait.ge [sflag:s18], $0x3E80  }
0x95: {  	[sflag:s18] =	ssyncset.done $0x0  }
0x96: {  	s1 =	sadd.s32 $0x100, s30;
	[sflag:s18] =	ssyncadd.s32 $0xFFFFC180  }
0x97: {  	[tilespmem:s21], [sflag:$0x1] =	stream.indirect.gather [hbm4b:s8+s20], $0x80, s1, s20, $0xb8;
	[tilespmem:$0x1E800] =	vst v63  }
0x98: {  	_ =	swait.ge [sflag:s24], $0x3E80  }
0x99: {  	[sflag:s24] =	ssyncset.done $0x0  }
0x9a: {  	s2 =	sadd.s32 $0x1480, s30;
	[sflag:s24] =	ssyncadd.s32 $0xFFFFC180  }
0x9b: {  	[spmem:s3] =	stream.indirect.scatter.add.f32 [tilespmem:s22], [sflag:$0x3], $0x80, s2, s20, $0xb8;
	[tilespmem:$0x1E800] =	vst v63  }
0x9c: {  	_ =	swait.ge [sflag:s18], $0x3E80  }
0x9d: {  	[sflag:s18] =	ssyncset.done $0x0  }
0x9e: {  	[sflag:s18] =	ssyncadd.s32 $0xFFFFC180  }
0x9f: {  	[tilespmem:s22], [sflag:$0x2] =	stream.indirect.gather [hbm4b:s8+s20], $0x80, s25, s20, $0xb8;
	[tilespmem:$0x1E800] =	vst v63  }
0xa0: {  	_ =	swait.ge [sflag:s23], $0x3E80  }
0xa1: {  	[sflag:s23] =	ssyncset.done $0x0  }
0xa2: {  	[sflag:s23] =	ssyncadd.s32 $0xFFFFC180  }
0xa3: {  	[spmem:s3] =	stream.indirect.scatter.add.f32 [tilespmem:s21], [sflag:$0x3], $0x80, s26, s20, $0xb8;
	[tilespmem:$0x1E800] =	vst v63  }
0xa4: {  	_ =	swait.ge [sflag:s18], $0x3E80  }
0xa5: {  	[sflag:s18] =	ssyncset.done $0x0  }
0xa6: {  	[sflag:s18] =	ssyncadd.s32 $0xFFFFC180  }
0xa7: {  	_ =	swait.ge [sflag:s24], $0x3E80  }
0xa8: {  	[sflag:s24] =	ssyncset.done $0x0  }
0xa9: {  	[sflag:s24] =	ssyncadd.s32 $0xFFFFC180  }
0xaa: {  	[spmem:s3] =	stream.indirect.scatter.add.f32 [tilespmem:s22], [sflag:$0x3], $0x80, s28, s20, $0xb8;
	[tilespmem:$0x1E800] =	vst v63  }
0xab: {  	_ =	swait.ge [sflag:s18], $0x3E80  }
0xac: {  	[sflag:s18] =	ssyncset.done $0x0  }
0xad: {  	[sflag:s18] =	ssyncadd.s32 $0xFFFFC180  }
0xae: {  	[bflag:$0x0] =	sbarrier.arrive $0xFFFF  }
0xaf: {  	[hbm:s11], [sflag:s5] =	dma.local [spmem:s17], $0x2800  }
0xb0: {  	_ =	swait.ge [sflag:s18], $0x2800  }
0xb1: {  	[sflag:s18] =	ssyncset.done $0x0  }
0xb2: {  	[sflag:s18] =	ssyncadd.s32 $0xFFFFD800  }
0xb3: {  	s1 =	rddreg [dreg:$0x1]  }
0xb4: {  	[spmem:s17], [sflag:s5] =	dma.local [hbm:s1], $0x2800  }
0xb5: {  	_ =	swait.ge [sflag:s18], $0x2800  }
0xb6: {  	[sflag:s18] =	ssyncset.done $0x0  }
0xb7: {  	s2 =	simm.s32 $0x0;
	[sflag:s18] =	ssyncadd.s32 $0xFFFFD800  }
0xb8: {  	[tilespmem:s2], [sflag:$0x3] =	stream.linear.gather [hbm4b:s12+s2], $0x1400, $0x38;
	[tilespmem:$0x1E800] =	vst v63  }
0xb9: {  	_ =	swait.ge [sflag:s18], $0x1400  }
0xba: {  	[sflag:s18] =	ssyncset.done $0x0  }
0xbb: {  	[sflag:s18] =	ssyncadd.s32 $0xFFFFEC00  }
0xbc: {  	[tilespmem:s19], [sflag:$0x3] =	stream.linear.gather [hbm4b:s13+s2], $0x1400, $0x38;
	[tilespmem:$0x1E800] =	vst v63  }
0xbd: {  	_ =	swait.ge [sflag:s18], $0x1400  }
0xbe: {  	[sflag:s18] =	ssyncset.done $0x0  }
0xbf: {  	[sflag:s18] =	ssyncadd.s32 $0xFFFFEC00  }
0xc0: {  	[bflag:$0x0] =	sbarrier.arrive $0xFFFF  }
0xc1: {  	[tilespmem:s21], [sflag:$0x1] =	stream.indirect.gather [hbm4b:s14+s20], $0x80, s2, s20, $0xb8;
	[tilespmem:$0x1E800] =	vst v63  }
0xc2: {  	s1 =	simm.s32 $0x80  }
0xc3: {  	[tilespmem:s22], [sflag:$0x2] =	stream.indirect.gather [hbm4b:s14+s20], $0x80, s1, s20, $0xb8;
	[tilespmem:$0x1E800] =	vst v63  }
0xc4: {  	_ =	swait.ge [sflag:s23], $0x3E80  }
0xc5: {  	[sflag:s23] =	ssyncset.done $0x0  }
0xc6: {  	s2 =	simm.s32 $0x1400;
	[sflag:s23] =	ssyncadd.s32 $0xFFFFC180  }
0xc7: {  	[spmem:s3] =	stream.indirect.scatter.add.f32 [tilespmem:s21], [sflag:$0x3], $0x80, s2, s20, $0xb8;
	[tilespmem:$0x1E800] =	vst v63  }
0xc8: {  	_ =	swait.ge [sflag:s18], $0x3E80  }
0xc9: {  	[sflag:s18] =	ssyncset.done $0x0  }
0xca: {  	s1 =	simm.s32 $0x100;
	[sflag:s18] =	ssyncadd.s32 $0xFFFFC180  }
0xcb: {  	[tilespmem:s21], [sflag:$0x1] =	stream.indirect.gather [hbm4b:s14+s20], $0x80, s1, s20, $0xb8;
	[tilespmem:$0x1E800] =	vst v63  }
0xcc: {  	_ =	swait.ge [sflag:s24], $0x3E80  }
0xcd: {  	[sflag:s24] =	ssyncset.done $0x0  }
0xce: {  	s2 =	simm.s32 $0x1480;
	[sflag:s24] =	ssyncadd.s32 $0xFFFFC180  }
0xcf: {  	[spmem:s3] =	stream.indirect.scatter.add.f32 [tilespmem:s22], [sflag:$0x3], $0x80, s2, s20, $0xb8;
	[tilespmem:$0x1E800] =	vst v63  }
0xd0: {  	_ =	swait.ge [sflag:s18], $0x3E80  }
0xd1: {  	s31 =	simm.s32 $0x800;
	s30 =	simm.s32 $0x100;
	[sflag:s18] =	ssyncset.done $0x0  }
.LBB2_6:
0xd2: {  	s0 =	sadd.s32 $0x80, s30  }
0xd3: {  	[sflag:s18] =	ssyncadd.s32 $0xFFFFC180;
	s1 =	smov.u32 s31;
	s2 =	sadd.s32 $0x400, s31  }
0xd4: {  	[tilespmem:s22], [sflag:$0x2] =	stream.indirect.gather [hbm4b:s14+s20], $0x80, s0, s20, $0xb8;
	[tilespmem:$0x1E800] =	vst v63  }
0xd5: {  	p0 =	sne.s32 s31, $0x4800;
	_ =	swait.ge [sflag:s23], $0x3E80  }
0xd6: {  	[sflag:s23] =	ssyncset.done $0x0  }
0xd7: {  	s0 =	sadd.s32 $0x1400, s30;
	[sflag:s23] =	ssyncadd.s32 $0xFFFFC180  }
0xd8: {  	[spmem:s3] =	stream.indirect.scatter.add.f32 [tilespmem:s21], [sflag:$0x3], $0x80, s0, s20, $0xb8;
	[tilespmem:$0x1E800] =	vst v63  }
0xd9: {  	_ =	swait.ge [sflag:s18], $0x3E80  }
0xda: {  	[sflag:s18] =	ssyncset.done $0x0  }
0xdb: {  	s0 =	sadd.s32 $0x100, s30;
	[sflag:s18] =	ssyncadd.s32 $0xFFFFC180  }
0xdc: {  	[tilespmem:s21], [sflag:$0x1] =	stream.indirect.gather [hbm4b:s14+s20], $0x80, s0, s20, $0xb8;
	[tilespmem:$0x1E800] =	vst v63  }
0xdd: {  	_ =	swait.ge [sflag:s24], $0x3E80  }
.Ltmp2:
0xde: {  	[sflag:s24] =	ssyncset.done $0x0;
	(pc) =	sbr.rel @p0 .LBB2_6-.Ltmp2, $4  }
0xdf: {  	s0 =	sadd.s32 $0x1480, s30;
	[sflag:s24] =	ssyncadd.s32 $0xFFFFC180  }
0xe0: {  	[spmem:s3] =	stream.indirect.scatter.add.f32 [tilespmem:s22], [sflag:$0x3], $0x80, s0, s20, $0xb8;
	[tilespmem:$0x1E800] =	vst v63  }
0xe1: {  	_ =	swait.ge [sflag:s18], $0x3E80  }
0xe2: {  	s31 =	smov.u32 s2;
	s30 =	sshra.s32 s1, $0x2;
	[sflag:s18] =	ssyncset.done $0x0  }
0xe3: {  	s0 =	sadd.s32 $0x80, s30;
	[sflag:s18] =	ssyncadd.s32 $0xFFFFC180  }
0xe4: {  	[tilespmem:s22], [sflag:$0x2] =	stream.indirect.gather [hbm4b:s14+s20], $0x80, s0, s20, $0xb8;
	[tilespmem:$0x1E800] =	vst v63  }
0xe5: {  	_ =	swait.ge [sflag:s23], $0x3E80  }
0xe6: {  	[sflag:s23] =	ssyncset.done $0x0  }
0xe7: {  	s1 =	sadd.s32 $0x1400, s30;
	[sflag:s23] =	ssyncadd.s32 $0xFFFFC180  }
0xe8: {  	[spmem:s3] =	stream.indirect.scatter.add.f32 [tilespmem:s21], [sflag:$0x3], $0x80, s1, s20, $0xb8;
	[tilespmem:$0x1E800] =	vst v63  }
0xe9: {  	_ =	swait.ge [sflag:s18], $0x3E80  }
0xea: {  	[sflag:s18] =	ssyncset.done $0x0  }
0xeb: {  	s2 =	sadd.s32 $0x100, s30;
	[sflag:s18] =	ssyncadd.s32 $0xFFFFC180  }
0xec: {  	[tilespmem:s21], [sflag:$0x1] =	stream.indirect.gather [hbm4b:s14+s20], $0x80, s2, s20, $0xb8;
	[tilespmem:$0x1E800] =	vst v63  }
0xed: {  	_ =	swait.ge [sflag:s24], $0x3E80  }
0xee: {  	[sflag:s24] =	ssyncset.done $0x0  }
0xef: {  	s31 =	sadd.s32 $0x1480, s30;
	[sflag:s24] =	ssyncadd.s32 $0xFFFFC180  }
0xf0: {  	[spmem:s3] =	stream.indirect.scatter.add.f32 [tilespmem:s22], [sflag:$0x3], $0x80, s31, s20, $0xb8;
	[tilespmem:$0x1E800] =	vst v63  }
0xf1: {  	_ =	swait.ge [sflag:s18], $0x3E80  }
0xf2: {  	[sflag:s18] =	ssyncset.done $0x0  }
0xf3: {  	[sflag:s18] =	ssyncadd.s32 $0xFFFFC180  }
0xf4: {  	[tilespmem:s22], [sflag:$0x2] =	stream.indirect.gather [hbm4b:s14+s20], $0x80, s25, s20, $0xb8;
	[tilespmem:$0x1E800] =	vst v63  }
0xf5: {  	_ =	swait.ge [sflag:s23], $0x3E80  }
0xf6: {  	[sflag:s23] =	ssyncset.done $0x0  }
0xf7: {  	[sflag:s23] =	ssyncadd.s32 $0xFFFFC180  }
0xf8: {  	[spmem:s3] =	stream.indirect.scatter.add.f32 [tilespmem:s21], [sflag:$0x3], $0x80, s26, s20, $0xb8;
	[tilespmem:$0x1E800] =	vst v63  }
0xf9: {  	_ =	swait.ge [sflag:s18], $0x3E80  }
0xfa: {  	[sflag:s18] =	ssyncset.done $0x0  }
0xfb: {  	[sflag:s18] =	ssyncadd.s32 $0xFFFFC180  }
0xfc: {  	_ =	swait.ge [sflag:s24], $0x3E80  }
0xfd: {  	[sflag:s24] =	ssyncset.done $0x0  }
0xfe: {  	[sflag:s24] =	ssyncadd.s32 $0xFFFFC180  }
0xff: {  	[spmem:s3] =	stream.indirect.scatter.add.f32 [tilespmem:s22], [sflag:$0x3], $0x80, s28, s20, $0xb8;
	[tilespmem:$0x1E800] =	vst v63  }
0x100: {  	_ =	swait.ge [sflag:s18], $0x3E80  }
0x101: {  	s29 =	sadd.s32 $0x1, s29;
	[sflag:s18] =	ssyncset.done $0x0  }
0x102: {  	p0 =	sne.s32 s29, s16;
	[sflag:s18] =	ssyncadd.s32 $0xFFFFC180  }
.Ltmp3:
0x103: {  	[bflag:$0x0] =	sbarrier.arrive $0xFFFF;
	(pc) =	sbr.rel @p0 .LBB2_1-.Ltmp3, $4  }
0x104: {  	[hbm:s15], [sflag:s5] =	dma.local [spmem:s17], $0x2800  }
0x105: {  	_ =	swait.ge [sflag:s18], $0x2800  }
0x106: {  	[sflag:s18] =	ssyncset.done $0x0  }
0x107: {  	[sflag:s18] =	ssyncadd.s32 $0xFFFFD800  }
0x108: {  	_ =	sfence.sel $0x180000  }
0x109: {  	[bflag:$0x0] =	sbarrier.arrive $0xFFFF  }
0x10a: {  	_ =	strace $0x9000004A  }
0x10b: {  	s0 =	stileid.u32;
	[bflag:$0x2] =	sbarrier.arrive $0xFFFF  }
0x10c: {  	p0 =	sne.s32 s0, $0x0;
	s0 =	rddreg [dreg:$0x3]  }
0x10d: {  	s0 =	sadd.s32 @!p0 $0x100000, s0  }
0x10e: {  	[sflag:s0] =	ssyncadd.tile.s32 @!p0 $0x1;
	_ =	shalt  }
.Lfunc_end2:
_tile_overlayer_lowered:
.L_overlay_start_2:
0x10f: {  	(tag) =	ssettag $0x2  }
0x110: {  	s0 =	rddreg [dreg:$0x0];
	s2 =	stileid.u32  }
0x111: {  	s1 =	rddreg [dreg:$0x1];
	p0 =	sne.s32 s2, $0x0  }
0x112: {  	s3 =	rddreg [dreg:$0x2];
	[bflag:$0x3] =	sbarrier.arrive $0xFFFF;
	s2 =	simm.s32 @!p0 $0x1C03  }
0x113: {  	[timem:s3], [sflag:s2] =	dma.local @!p0 [hbm:s0], s1  }
0x114: {  	s0 =	simm.s32 @!p0 $0x3  }
0x115: {  	_ =	swait.ge @!p0 [sflag:s0], s1  }
0x116: {  	s1 =	ssub.s32 @!p0 $0x0, s1;
	[sflag:s0] =	ssyncset.done @!p0 $0x0  }
0x117: {  	[sflag:s0] =	ssyncadd.s32 @!p0 s1  }
0x118: {  	[bflag:$0x3] =	sbarrier.arrive $0xFFFF  }
0x119: {  	_ =	shalt  }

</sc_bundles>
